<compile_context>
chip_gen: v7x
topology: tpu7x:2x2x1
jax: 0.10.2.dev20260603
libtpu: 0.0.44.dev20260713+nightly
codegen_flags: <defaults>
</compile_context>

<pallas_src>
import functools

import jax
import jax.numpy as jnp
from jax import lax
from jax.experimental import pallas as pl
from jax.experimental.pallas import tpu as pltpu
from jax.experimental.pallas import tpu_sc as plsc

N = 10000
E = 320000
F_IN = 128
HID = 128
C = 40

NC = 2
NS = 16
NT = NC * NS
B = 125
EPT = E // NT
NB = EPT // B
NPAD = 10240
ROWS_PT = NPAD // NS

_MESH = plsc.VectorSubcoreMesh(core_axis_name="c", subcore_axis_name="s")


@functools.partial(
    pl.kernel,
    out_type=jax.ShapeDtypeStruct((NC, NPAD), jnp.float32),
    mesh=_MESH,
    scratch_types=[
        pltpu.VMEM((NB, B), jnp.int32),
        pltpu.VMEM((B,), jnp.float32),
        pltpu.VMEM_SHARED((NPAD,), jnp.float32),
    ],
)
def _deg_kernel(dst2d_hbm, ones_hbm, zeros_hbm, out_hbm, idx_v, ones_v, acc):
    cid = lax.axis_index("c")
    sid = lax.axis_index("s")
    tid = cid * NS + sid
    pltpu.sync_copy(dst2d_hbm.at[pl.ds(tid * NB, NB)], idx_v)
    pltpu.sync_copy(ones_hbm, ones_v)
    pltpu.sync_copy(zeros_hbm.at[pl.ds(sid * 640, 640)],
                    acc.at[pl.ds(sid * 640, 640)])
    plsc.subcore_barrier()

    def body(j, carry):
        pltpu.sync_copy(ones_v, acc.at[idx_v.at[j]], add=True)
        return carry

    lax.fori_loop(0, NB, body, 0)
    plsc.subcore_barrier()
    pltpu.sync_copy(acc.at[pl.ds(sid * 640, 640)],
                    out_hbm.at[cid, pl.ds(sid * 640, 640)])


def _scatter_phase(g_hbm, out_hbm, zeros_hbm, srcv, dstv, idv, bufs, mbuf,
                   gsems, ssems, accs, cid, sid):
    nbank = len(accs)
    for b in range(nbank):
        pltpu.sync_copy(zeros_hbm.at[pl.ds(sid * ROWS_PT, ROWS_PT)],
                        accs[b].at[pl.ds(sid * ROWS_PT, ROWS_PT)])
    plsc.subcore_barrier()
    pltpu.async_copy(g_hbm.at[srcv.at[0]], bufs[0], gsems[0])
    pltpu.async_copy(g_hbm.at[srcv.at[1]], bufs[1], gsems[1])

    def body(jj, carry):
        for k in range(4):
            j = 4 * jj + k
            b = k % nbank
            nk = (k + 2) % 4
            pltpu.make_async_copy(g_hbm.at[srcv.at[j]], bufs[k], gsems[k]).wait()

            @pl.when(j >= nbank)
            def _():
                pltpu.make_async_copy(bufs[k], accs[b].at[dstv.at[j]],
                                      ssems[b]).wait()

            pltpu.async_copy(bufs[k], accs[b].at[dstv.at[j]], ssems[b], add=True)

            @pl.when(j + 2 < NB)
            def _():
                pltpu.async_copy(g_hbm.at[srcv.at[j + 2]], bufs[nk], gsems[nk])
        return carry

    lax.fori_loop(0, NB // 4, body, 0)
    for i in range(nbank):
        jlast = NB - nbank + i
        pltpu.make_async_copy(bufs[jlast % 4], accs[jlast % nbank].at[dstv.at[0]],
                              ssems[jlast % nbank]).wait()
    plsc.subcore_barrier()
    if nbank == 2:
        for m in range(ROWS_PT // 128):
            pltpu.sync_copy(accs[1].at[pl.ds(sid * ROWS_PT + m * 128, 128)],
                            mbuf)
            pltpu.sync_copy(mbuf, accs[0].at[idv.at[m]], add=True)
        plsc.subcore_barrier()
    pltpu.sync_copy(accs[0].at[pl.ds(sid * ROWS_PT, ROWS_PT)],
                    out_hbm.at[cid, pl.ds(sid * ROWS_PT, ROWS_PT)])


def _make_scatter(D, num_tables, num_banks):

    @functools.partial(
        pl.kernel,
        out_type=[jax.ShapeDtypeStruct((NC, NPAD, D), jnp.float32)
                  for _ in range(num_tables)],
        mesh=_MESH,
        scratch_types=[
            pltpu.VMEM((NB, B), jnp.int32),
            pltpu.VMEM((NB, B), jnp.int32),
            pltpu.VMEM((ROWS_PT // 128, 128), jnp.int32),
            pltpu.VMEM((B, D), jnp.float32),
            pltpu.VMEM((B, D), jnp.float32),
            pltpu.VMEM((B, D), jnp.float32),
            pltpu.VMEM((B, D), jnp.float32),
            pltpu.VMEM((128, D), jnp.float32),
        ] + [pltpu.VMEM_SHARED((NPAD, D), jnp.float32)] * num_banks
          + [pltpu.SemaphoreType.DMA] * (4 + num_banks),
        compiler_params=pltpu.CompilerParams(use_tc_tiling_on_sc=False),
    )
    def _scatter(*args):
        tables = args[:num_tables]
        src2d_hbm, dst2d_hbm, zeros_hbm, iota2d_hbm = (
            args[num_tables:num_tables + 4])
        outs = args[num_tables + 4:2 * num_tables + 4]
        scratch = args[2 * num_tables + 4:]
        srcv, dstv, idv = scratch[0], scratch[1], scratch[2]
        bufs = scratch[3:7]
        mbuf = scratch[7]
        accs = scratch[8:8 + num_banks]
        gsems = scratch[8 + num_banks:12 + num_banks]
        ssems = scratch[12 + num_banks:12 + 2 * num_banks]
        cid = lax.axis_index("c")
        sid = lax.axis_index("s")
        tid = cid * NS + sid
        pltpu.sync_copy(src2d_hbm.at[pl.ds(tid * NB, NB)], srcv)
        pltpu.sync_copy(dst2d_hbm.at[pl.ds(tid * NB, NB)], dstv)
        pltpu.sync_copy(iota2d_hbm.at[pl.ds(sid * (ROWS_PT // 128),
                                            ROWS_PT // 128)], idv)
        for g_hbm, out_hbm in zip(tables, outs):
            _scatter_phase(g_hbm, out_hbm, zeros_hbm, srcv, dstv, idv,
                           bufs, mbuf, gsems, ssems, accs, cid, sid)

    return _scatter


HH = HID // 2
_scatter_hid = _make_scatter(HH, 2, 1)
_scatter_out = _make_scatter(C, 1, 1)


_R = 2000


def _tc1a_body(x_ref, w_ref, h_ref):
    h_ref[...] = jnp.dot(x_ref[...], w_ref[...],
                         preferred_element_type=jnp.float32)


def _tc1a(x, w1):
    return pl.pallas_call(
        _tc1a_body,
        grid=(N // _R,),
        in_specs=[
            pl.BlockSpec((_R, F_IN), lambda i: (i, 0)),
            pl.BlockSpec((F_IN, HID), lambda i: (0, 0)),
        ],
        out_specs=pl.BlockSpec((_R, HID), lambda i: (i, 0)),
        out_shape=jax.ShapeDtypeStruct((N, HID), jnp.float32),
    )(x, w1)


def _tc1b_body(h_ref, degt_ref, g1a_ref, g1b_ref, dinv_ref):
    d2 = degt_ref[...]
    deg = d2[:, 0:1] + d2[:, 1:2] + 1.0
    dinv = lax.rsqrt(deg)
    g1 = h_ref[...] * dinv
    g1a_ref[...] = g1[:, :HH]
    g1b_ref[...] = g1[:, HH:]
    dinv_ref[...] = dinv


def _tc1b(h, degt):
    return pl.pallas_call(
        _tc1b_body,
        grid=(N // _R,),
        in_specs=[
            pl.BlockSpec((_R, HID), lambda i: (i, 0)),
            pl.BlockSpec((_R, NC), lambda i: (i, 0)),
        ],
        out_specs=[
            pl.BlockSpec((_R, HH), lambda i: (i, 0)),
            pl.BlockSpec((_R, HH), lambda i: (i, 0)),
            pl.BlockSpec((_R, 1), lambda i: (i, 0)),
        ],
        out_shape=[
            jax.ShapeDtypeStruct((N, HH), jnp.float32),
            jax.ShapeDtypeStruct((N, HH), jnp.float32),
            jax.ShapeDtypeStruct((N, 1), jnp.float32),
        ],
    )(h, degt)


def _tc2_body(acca_ref, accb_ref, g1a_ref, g1b_ref, dinv_ref, b1_ref, w2_ref,
              g2_ref):
    a = jnp.concatenate(
        [acca_ref[0] + acca_ref[1] + g1a_ref[...],
         accb_ref[0] + accb_ref[1] + g1b_ref[...]], axis=1)
    y = a * dinv_ref[...] + b1_ref[...]
    h = jnp.maximum(y, 0.0)
    g2_ref[...] = jnp.dot(h, w2_ref[...],
                          preferred_element_type=jnp.float32) * dinv_ref[...]


def _tc2(acc1a, acc1b, g1a, g1b, dinv, b1, w2):
    return pl.pallas_call(
        _tc2_body,
        grid=(N // _R,),
        in_specs=[
            pl.BlockSpec((NC, _R, HH), lambda i: (0, i, 0)),
            pl.BlockSpec((NC, _R, HH), lambda i: (0, i, 0)),
            pl.BlockSpec((_R, HH), lambda i: (i, 0)),
            pl.BlockSpec((_R, HH), lambda i: (i, 0)),
            pl.BlockSpec((_R, 1), lambda i: (i, 0)),
            pl.BlockSpec((1, HID), lambda i: (0, 0)),
            pl.BlockSpec((HID, C), lambda i: (0, 0)),
        ],
        out_specs=pl.BlockSpec((_R, C), lambda i: (i, 0)),
        out_shape=jax.ShapeDtypeStruct((N, C), jnp.float32),
    )(acc1a, acc1b, g1a, g1b, dinv, b1, w2)


def _tc3_body(acc_ref, g2_ref, dinv_ref, b2_ref, o_ref):
    a = acc_ref[0] + acc_ref[1] + g2_ref[...]
    y = a * dinv_ref[...] + b2_ref[...]
    m = jnp.max(y, axis=1, keepdims=True)
    e = jnp.exp(y - m)
    s = jnp.sum(e, axis=1, keepdims=True)
    o_ref[...] = y - m - jnp.log(s)


def _tc3(acc2, g2, dinv, b2):
    return pl.pallas_call(
        _tc3_body,
        grid=(N // _R,),
        in_specs=[
            pl.BlockSpec((NC, _R, C), lambda i: (0, i, 0)),
            pl.BlockSpec((_R, C), lambda i: (i, 0)),
            pl.BlockSpec((_R, 1), lambda i: (i, 0)),
            pl.BlockSpec((1, C), lambda i: (0, 0)),
        ],
        out_specs=pl.BlockSpec((_R, C), lambda i: (i, 0)),
        out_shape=jax.ShapeDtypeStruct((N, C), jnp.float32),
    )(acc2, g2, dinv, b2)


def kernel(x, edge_index, W1, b1, W2, b2):
    src2d = edge_index[0].reshape(E // B, B)
    dst2d = edge_index[1].reshape(E // B, B)
    ones_b = jnp.ones((B,), jnp.float32)
    zeros_n = jnp.zeros((NPAD,), jnp.float32)
    zeros_h = jnp.zeros((NPAD, HH), jnp.float32)
    zeros_c = jnp.zeros((NPAD, C), jnp.float32)

    iota2d = jnp.arange(NPAD, dtype=jnp.int32).reshape(NPAD // 128, 128)

    degp = _deg_kernel(dst2d, ones_b, zeros_n)
    h1 = _tc1a(x, W1)
    g1a, g1b, dinv = _tc1b(h1, degp[:, :N].T)
    acc1a, acc1b = _scatter_hid(g1a, g1b, src2d, dst2d, zeros_h, iota2d)
    g2 = _tc2(acc1a, acc1b, g1a, g1b, dinv,
              b1.reshape(1, HID), W2)
    (acc2,) = _scatter_out(g2, src2d, dst2d, zeros_c, iota2d)
    return _tc3(acc2, g2, dinv, b2.reshape(1, C))

# --- scband reference (transcript-rebuilt; emitter-appended) ---
"""Pipeline reference for scband-gcn-10222022164972 (READ-ONLY COPY).

The authoritative reference and input builder live on the scoring server;
editing this copy changes nothing except your own understanding.
"""

import jax, jax.numpy as jnp
import numpy as np

N = 10000
E = 320000
F_IN = 128
HID = 128
C = 40


def setup_inputs(seed: int = 0) -> dict:
    key = jax.random.key(seed)
    k1, k2, k3, k4 = jax.random.split(key, 4)
    x = jax.random.normal(k1, (N, F_IN), dtype=jnp.float32)
    edge_index = jax.random.randint(k2, (2, E), 0, N, dtype=jnp.int32)
    W1 = jax.random.normal(k3, (F_IN, HID), dtype=jnp.float32) * (1.0 / np.sqrt(F_IN))
    b1 = jnp.zeros((HID,), dtype=jnp.float32)
    W2 = jax.random.normal(k4, (HID, C), dtype=jnp.float32) * (1.0 / np.sqrt(HID))
    b2 = jnp.zeros((C,), dtype=jnp.float32)
    return {"x": x, "edge_index": edge_index, "W1": W1, "b1": b1, "W2": W2, "b2": b2}


def _gcn_conv(x, src, dst, W, b):
    n = x.shape[0]
    # symmetric normalization with self-loops (PyG GCNConv default)
    deg = jnp.zeros((n,), dtype=x.dtype).at[dst].add(1.0)
    dinv = jnp.where(deg > 0, 1.0 / jnp.sqrt(deg), 0.0)
    norm = dinv[src] * dinv[dst]
    h = x @ W
    msg = h[src] * norm[:, None]
    out = jnp.zeros((n, h.shape[1]), dtype=x.dtype).at[dst].add(msg)
    return out + b


def reference(x, edge_index, W1, b1, W2, b2):
    n = x.shape[0]
    loop = jnp.arange(n, dtype=edge_index.dtype)
    src = jnp.concatenate([edge_index[0], loop])
    dst = jnp.concatenate([edge_index[1], loop])
    h = _gcn_conv(x, src, dst, W1, b1)
    h = jax.nn.relu(h)
    # dropout is identity in eval mode
    h = _gcn_conv(h, src, dst, W2, b2)
    return jax.nn.log_softmax(h, axis=1)

if __name__ == "__main__":
    import jax
    _d = setup_inputs()
    print(jax.jit(kernel)(*tuple(_d.values())))

</pallas_src>

<mosaic_0001>
#map = affine_map<(d0, d1) -> (0, 0)>
#map1 = affine_map<(d0, d1) -> (0, 0, 0)>
module attributes {stable_mosaic.version = 14 : i64} {
  func.func @_scatter(%arg0: i32, %arg1: i32, %arg2: memref<10000x64xf32, #tpu.memory_space<hbm>>, %arg3: memref<10000x64xf32, #tpu.memory_space<hbm>>, %arg4: memref<2560x125xi32, #tpu.memory_space<hbm>>, %arg5: memref<2560x125xi32, #tpu.memory_space<hbm>>, %arg6: memref<10240x64xf32, #tpu.memory_space<hbm>>, %arg7: memref<80x128xi32, #tpu.memory_space<hbm>>, %arg8: memref<2x10240x64xf32, #tpu.memory_space<hbm>>, %arg9: memref<2x10240x64xf32, #tpu.memory_space<hbm>>, %arg10: memref<80x125xi32, #tpu.memory_space<vmem>>, %arg11: memref<80x125xi32, #tpu.memory_space<vmem>>, %arg12: memref<5x128xi32, #tpu.memory_space<vmem>>, %arg13: memref<125x64xf32, #tpu.memory_space<vmem>>, %arg14: memref<125x64xf32, #tpu.memory_space<vmem>>, %arg15: memref<125x64xf32, #tpu.memory_space<vmem>>, %arg16: memref<125x64xf32, #tpu.memory_space<vmem>>, %arg17: memref<128x64xf32, #tpu.memory_space<vmem>>, %arg18: memref<10240x64xf32, #tpu.memory_space<vmem_shared>>, %arg19: memref<!tpu.dma_semaphore, #tpu.memory_space<semaphore_mem>>, %arg20: memref<!tpu.dma_semaphore, #tpu.memory_space<semaphore_mem>>, %arg21: memref<!tpu.dma_semaphore, #tpu.memory_space<semaphore_mem>>, %arg22: memref<!tpu.dma_semaphore, #tpu.memory_space<semaphore_mem>>, %arg23: memref<!tpu.dma_semaphore, #tpu.memory_space<semaphore_mem>>) attributes {dimension_semantics = [#tpu.dimension_semantics<core_parallel>, #tpu.dimension_semantics<subcore_parallel>], iteration_bounds = array<i64: 2, 16>, scalar_prefetch = 0 : i64, scratch_operands = 14 : i64, tpu.core_type = #tpu.core_type<sc_vector_subcore>, window_params = [{transform_indices = #map}, {transform_indices = #map}, {transform_indices = #map}, {transform_indices = #map}, {transform_indices = #map}, {transform_indices = #map}, {transform_indices = #map1}, {transform_indices = #map1}]} {
    %mul3A = arith.constant 16 : i32
    %mul3A_0 = arith.muli %arg0, %mul3A : i32
    %add3A = arith.addi %mul3A_0, %arg1 : i32
    %mul3A_1 = arith.constant 80 : i32
    %mul3A_2 = arith.muli %add3A, %mul3A_1 : i32
    "tpu.region"() ({
      %run_scoped3A = tpu.sem_alloc : memref<!tpu.dma_semaphore, #tpu.memory_space<semaphore_mem>>
      %dma_start3A_77 = arith.constant 0 : i32
      %dma_start3A_78 = tpu.memref_slice %arg4[%mul3A_2, %dma_start3A_77] : memref<2560x125xi32, #tpu.memory_space<hbm>> -> memref<80x125xi32, #tpu.memory_space<hbm>>
      %dma_start3A_79 = arith.constant 0 : i32
      %dma_start3A_80 = tpu.memref_slice %arg4[%mul3A_2, %dma_start3A_79] : memref<2560x125xi32, #tpu.memory_space<hbm>> -> memref<80x125xi32, #tpu.memory_space<hbm>>
      tpu.enqueue_dma source(%dma_start3A_80 : memref<80x125xi32, #tpu.memory_space<hbm>>) target(%arg10 : memref<80x125xi32, #tpu.memory_space<vmem>>) target_semaphore(%run_scoped3A : memref<!tpu.dma_semaphore, #tpu.memory_space<semaphore_mem>>)
      %dma_wait3A_81 = arith.constant 0 : i32
      %dma_wait3A_82 = tpu.memref_slice %arg4[%mul3A_2, %dma_wait3A_81] : memref<2560x125xi32, #tpu.memory_space<hbm>> -> memref<80x125xi32, #tpu.memory_space<hbm>>
      %dma_wait3A_83 = arith.constant 0 : i32
      %dma_wait3A_84 = tpu.memref_slice %arg4[%mul3A_2, %dma_wait3A_83] : memref<2560x125xi32, #tpu.memory_space<hbm>> -> memref<80x125xi32, #tpu.memory_space<hbm>>
      tpu.wait_dma2 semaphore(%run_scoped3A : memref<!tpu.dma_semaphore, #tpu.memory_space<semaphore_mem>>) src(%dma_wait3A_84 : memref<80x125xi32, #tpu.memory_space<hbm>>) dst(%arg10 : memref<80x125xi32, #tpu.memory_space<vmem>>)
      tpu.yield
    }) : () -> ()
    %mul3A_3 = arith.constant 80 : i32
    %mul3A_4 = arith.muli %add3A, %mul3A_3 : i32
    "tpu.region"() ({
      %run_scoped3A = tpu.sem_alloc : memref<!tpu.dma_semaphore, #tpu.memory_space<semaphore_mem>>
      %dma_start3A_77 = arith.constant 0 : i32
      %dma_start3A_78 = tpu.memref_slice %arg5[%mul3A_4, %dma_start3A_77] : memref<2560x125xi32, #tpu.memory_space<hbm>> -> memref<80x125xi32, #tpu.memory_space<hbm>>
      %dma_start3A_79 = arith.constant 0 : i32
      %dma_start3A_80 = tpu.memref_slice %arg5[%mul3A_4, %dma_start3A_79] : memref<2560x125xi32, #tpu.memory_space<hbm>> -> memref<80x125xi32, #tpu.memory_space<hbm>>
      tpu.enqueue_dma source(%dma_start3A_80 : memref<80x125xi32, #tpu.memory_space<hbm>>) target(%arg11 : memref<80x125xi32, #tpu.memory_space<vmem>>) target_semaphore(%run_scoped3A : memref<!tpu.dma_semaphore, #tpu.memory_space<semaphore_mem>>)
      %dma_wait3A_81 = arith.constant 0 : i32
      %dma_wait3A_82 = tpu.memref_slice %arg5[%mul3A_4, %dma_wait3A_81] : memref<2560x125xi32, #tpu.memory_space<hbm>> -> memref<80x125xi32, #tpu.memory_space<hbm>>
      %dma_wait3A_83 = arith.constant 0 : i32
      %dma_wait3A_84 = tpu.memref_slice %arg5[%mul3A_4, %dma_wait3A_83] : memref<2560x125xi32, #tpu.memory_space<hbm>> -> memref<80x125xi32, #tpu.memory_space<hbm>>
      tpu.wait_dma2 semaphore(%run_scoped3A : memref<!tpu.dma_semaphore, #tpu.memory_space<semaphore_mem>>) src(%dma_wait3A_84 : memref<80x125xi32, #tpu.memory_space<hbm>>) dst(%arg11 : memref<80x125xi32, #tpu.memory_space<vmem>>)
      tpu.yield
    }) : () -> ()
    %mul3A_5 = arith.constant 5 : i32
    %mul3A_6 = arith.muli %arg1, %mul3A_5 : i32
    "tpu.region"() ({
      %run_scoped3A = tpu.sem_alloc : memref<!tpu.dma_semaphore, #tpu.memory_space<semaphore_mem>>
      %dma_start3A_77 = arith.constant 0 : i32
      %dma_start3A_78 = tpu.memref_slice %arg7[%mul3A_6, %dma_start3A_77] : memref<80x128xi32, #tpu.memory_space<hbm>> -> memref<5x128xi32, #tpu.memory_space<hbm>>
      %dma_start3A_79 = arith.constant 0 : i32
      %dma_start3A_80 = tpu.memref_slice %arg7[%mul3A_6, %dma_start3A_79] : memref<80x128xi32, #tpu.memory_space<hbm>> -> memref<5x128xi32, #tpu.memory_space<hbm>>
      tpu.enqueue_dma source(%dma_start3A_80 : memref<5x128xi32, #tpu.memory_space<hbm>>) target(%arg12 : memref<5x128xi32, #tpu.memory_space<vmem>>) target_semaphore(%run_scoped3A : memref<!tpu.dma_semaphore, #tpu.memory_space<semaphore_mem>>)
      %dma_wait3A_81 = arith.constant 0 : i32
      %dma_wait3A_82 = tpu.memref_slice %arg7[%mul3A_6, %dma_wait3A_81] : memref<80x128xi32, #tpu.memory_space<hbm>> -> memref<5x128xi32, #tpu.memory_space<hbm>>
      %dma_wait3A_83 = arith.constant 0 : i32
      %dma_wait3A_84 = tpu.memref_slice %arg7[%mul3A_6, %dma_wait3A_83] : memref<80x128xi32, #tpu.memory_space<hbm>> -> memref<5x128xi32, #tpu.memory_space<hbm>>
      tpu.wait_dma2 semaphore(%run_scoped3A : memref<!tpu.dma_semaphore, #tpu.memory_space<semaphore_mem>>) src(%dma_wait3A_84 : memref<5x128xi32, #tpu.memory_space<hbm>>) dst(%arg12 : memref<5x128xi32, #tpu.memory_space<vmem>>)
      tpu.yield
    }) : () -> ()
    %mul3A_7 = arith.constant 640 : i32
    %mul3A_8 = arith.muli %arg1, %mul3A_7 : i32
    %mul3A_9 = arith.constant 640 : i32
    %mul3A_10 = arith.muli %arg1, %mul3A_9 : i32
    "tpu.region"() ({
      %run_scoped3A = tpu.sem_alloc : memref<!tpu.dma_semaphore, #tpu.memory_space<semaphore_mem>>
      %dma_start3A_77 = arith.constant 0 : i32
      %dma_start3A_78 = tpu.memref_slice %arg18[%mul3A_10, %dma_start3A_77] : memref<10240x64xf32, #tpu.memory_space<vmem_shared>> -> memref<640x64xf32, #tpu.memory_space<vmem_shared>>
      %dma_start3A_79 = arith.constant 0 : i32
      %dma_start3A_80 = tpu.memref_slice %arg6[%mul3A_8, %dma_start3A_79] : memref<10240x64xf32, #tpu.memory_space<hbm>> -> memref<640x64xf32, #tpu.memory_space<hbm>>
      tpu.enqueue_dma source(%dma_start3A_80 : memref<640x64xf32, #tpu.memory_space<hbm>>) target(%dma_start3A_78 : memref<640x64xf32, #tpu.memory_space<vmem_shared>>) target_semaphore(%run_scoped3A : memref<!tpu.dma_semaphore, #tpu.memory_space<semaphore_mem>>)
      %dma_wait3A_81 = arith.constant 0 : i32
      %dma_wait3A_82 = tpu.memref_slice %arg18[%mul3A_10, %dma_wait3A_81] : memref<10240x64xf32, #tpu.memory_space<vmem_shared>> -> memref<640x64xf32, #tpu.memory_space<vmem_shared>>
      %dma_wait3A_83 = arith.constant 0 : i32
      %dma_wait3A_84 = tpu.memref_slice %arg6[%mul3A_8, %dma_wait3A_83] : memref<10240x64xf32, #tpu.memory_space<hbm>> -> memref<640x64xf32, #tpu.memory_space<hbm>>
      tpu.wait_dma2 semaphore(%run_scoped3A : memref<!tpu.dma_semaphore, #tpu.memory_space<semaphore_mem>>) src(%dma_wait3A_84 : memref<640x64xf32, #tpu.memory_space<hbm>>) dst(%dma_wait3A_82 : memref<640x64xf32, #tpu.memory_space<vmem_shared>>)
      tpu.yield
    }) : () -> ()
    %barrier3A = arith.constant 0 : index
    tpu.barrier barrier_id(%barrier3A)
    %dma_start3A = arith.constant 0 : i32
    %dma_start3A_11 = arith.constant 0 : i32
    %dma_start3A_12 = tpu.memref_slice %arg10[%dma_start3A, %dma_start3A_11] : memref<80x125xi32, #tpu.memory_space<vmem>> -> memref<1x125xi32, #tpu.memory_space<vmem>>
    %dma_start3A_13 = tpu.memref_squeeze %dma_start3A_12 : memref<1x125xi32, #tpu.memory_space<vmem>> -> memref<125xi32, #tpu.memory_space<vmem>>
    %dma_start3A_14 = arith.constant 0 : i32
    %dma_start3A_15 = arith.constant 0 : i32
    %dma_start3A_16 = tpu.memref_slice %arg2[%dma_start3A_14, %dma_start3A_15] : memref<10000x64xf32, #tpu.memory_space<hbm>> -> memref<10000x64xf32, #tpu.memory_space<hbm>>
    tpu.enqueue_indirect_dma source(%dma_start3A_16 : memref<10000x64xf32, #tpu.memory_space<hbm>>) target(%arg13 : memref<125x64xf32, #tpu.memory_space<vmem>>) offsets(%dma_start3A_13 : memref<125xi32, #tpu.memory_space<vmem>>) semaphore(%arg19 : memref<!tpu.dma_semaphore, #tpu.memory_space<semaphore_mem>>)
    %dma_start3A_17 = arith.constant 1 : i32
    %dma_start3A_18 = arith.constant 0 : i32
    %dma_start3A_19 = tpu.memref_slice %arg10[%dma_start3A_17, %dma_start3A_18] : memref<80x125xi32, #tpu.memory_space<vmem>> -> memref<1x125xi32, #tpu.memory_space<vmem>>
    %dma_start3A_20 = tpu.memref_squeeze %dma_start3A_19 : memref<1x125xi32, #tpu.memory_space<vmem>> -> memref<125xi32, #tpu.memory_space<vmem>>
    %dma_start3A_21 = arith.constant 0 : i32
    %dma_start3A_22 = arith.constant 0 : i32
    %dma_start3A_23 = tpu.memref_slice %arg2[%dma_start3A_21, %dma_start3A_22] : memref<10000x64xf32, #tpu.memory_space<hbm>> -> memref<10000x64xf32, #tpu.memory_space<hbm>>
    tpu.enqueue_indirect_dma source(%dma_start3A_23 : memref<10000x64xf32, #tpu.memory_space<hbm>>) target(%arg14 : memref<125x64xf32, #tpu.memory_space<vmem>>) offsets(%dma_start3A_20 : memref<125xi32, #tpu.memory_space<vmem>>) semaphore(%arg20 : memref<!tpu.dma_semaphore, #tpu.memory_space<semaphore_mem>>)
    %scan3A = arith.constant 0 : i32
    %scan3A_24 = arith.constant 0 : i32
    %scan3A_25 = arith.constant 20 : i32
    %scan3A_26 = arith.addi %scan3A_24, %scan3A_25 : i32
    %scan3A_27 = arith.constant 1 : i32
    scf.for %scan3A_77 = %scan3A_24 to %scan3A_26 step %scan3A_27  : i32 {
      %mul3A_78 = arith.constant 4 : i32
      %mul3A_79 = arith.muli %mul3A_78, %scan3A_77 : i32
      %add3A_80 = arith.constant 0 : i32
      %add3A_81 = arith.addi %mul3A_79, %add3A_80 : i32
      %dma_wait3A_82 = arith.constant 0 : i32
      %dma_wait3A_83 = tpu.memref_slice %arg10[%add3A_81, %dma_wait3A_82] : memref<80x125xi32, #tpu.memory_space<vmem>> -> memref<1x125xi32, #tpu.memory_space<vmem>>
      %dma_wait3A_84 = tpu.memref_squeeze %dma_wait3A_83 : memref<1x125xi32, #tpu.memory_space<vmem>> -> memref<125xi32, #tpu.memory_space<vmem>>
      %dma_wait3A_85 = arith.constant 0 : i32
      %dma_wait3A_86 = arith.constant 0 : i32
      %dma_wait3A_87 = tpu.memref_slice %arg2[%dma_wait3A_85, %dma_wait3A_86] : memref<10000x64xf32, #tpu.memory_space<hbm>> -> memref<10000x64xf32, #tpu.memory_space<hbm>>
      tpu.wait_indirect_dma semaphore(%arg19 : memref<!tpu.dma_semaphore, #tpu.memory_space<semaphore_mem>>) src(%dma_wait3A_87 : memref<10000x64xf32, #tpu.memory_space<hbm>>) dst(%arg13 : memref<125x64xf32, #tpu.memory_space<vmem>>)
      %ge3A = arith.constant 1 : i32
      %ge3A_88 = arith.cmpi sge, %add3A_81, %ge3A : i32
      %convert_element_type3A = arith.extui %ge3A_88 : i1 to i32
      %cond3A = arith.constant 0 : i32
      %cond3A_89 = arith.cmpi ne, %convert_element_type3A, %cond3A : i32
      scf.if %cond3A_89 {
        %dma_wait3A_186 = arith.constant 0 : i32
        %dma_wait3A_187 = tpu.memref_slice %arg11[%add3A_81, %dma_wait3A_186] : memref<80x125xi32, #tpu.memory_space<vmem>> -> memref<1x125xi32, #tpu.memory_space<vmem>>
        %dma_wait3A_188 = tpu.memref_squeeze %dma_wait3A_187 : memref<1x125xi32, #tpu.memory_space<vmem>> -> memref<125xi32, #tpu.memory_space<vmem>>
        %dma_wait3A_189 = arith.constant 0 : i32
        %dma_wait3A_190 = arith.constant 0 : i32
        %dma_wait3A_191 = tpu.memref_slice %arg18[%dma_wait3A_189, %dma_wait3A_190] : memref<10240x64xf32, #tpu.memory_space<vmem_shared>> -> memref<10240x64xf32, #tpu.memory_space<vmem_shared>>
        tpu.wait_indirect_dma semaphore(%arg23 : memref<!tpu.dma_semaphore, #tpu.memory_space<semaphore_mem>>) src(%arg13 : memref<125x64xf32, #tpu.memory_space<vmem>>) dst(%dma_wait3A_191 : memref<10240x64xf32, #tpu.memory_space<vmem_shared>>)
      } else {
      }
      %dma_start3A_90 = arith.constant 0 : i32
      %dma_start3A_91 = tpu.memref_slice %arg11[%add3A_81, %dma_start3A_90] : memref<80x125xi32, #tpu.memory_space<vmem>> -> memref<1x125xi32, #tpu.memory_space<vmem>>
      %dma_start3A_92 = tpu.memref_squeeze %dma_start3A_91 : memref<1x125xi32, #tpu.memory_space<vmem>> -> memref<125xi32, #tpu.memory_space<vmem>>
      %dma_start3A_93 = arith.constant 0 : i32
      %dma_start3A_94 = arith.constant 0 : i32
      %dma_start3A_95 = tpu.memref_slice %arg18[%dma_start3A_93, %dma_start3A_94] : memref<10240x64xf32, #tpu.memory_space<vmem_shared>> -> memref<10240x64xf32, #tpu.memory_space<vmem_shared>>
      tpu.enqueue_indirect_dma source(%arg13 : memref<125x64xf32, #tpu.memory_space<vmem>>) target(%dma_start3A_95 : memref<10240x64xf32, #tpu.memory_space<vmem_shared>>) offsets(%dma_start3A_92 : memref<125xi32, #tpu.memory_space<vmem>>) semaphore(%arg23 : memref<!tpu.dma_semaphore, #tpu.memory_space<semaphore_mem>>) {add = true}
      %add3A_96 = arith.constant 2 : i32
      %add3A_97 = arith.addi %add3A_81, %add3A_96 : i32
      %lt3A = arith.constant 80 : i32
      %lt3A_98 = arith.cmpi slt, %add3A_97, %lt3A : i32
      %convert_element_type3A_99 = arith.extui %lt3A_98 : i1 to i32
      %cond3A_100 = arith.constant 0 : i32
      %cond3A_101 = arith.cmpi ne, %convert_element_type3A_99, %cond3A_100 : i32
      scf.if %cond3A_101 {
        %add3A_186 = arith.constant 2 : i32
        %add3A_187 = arith.addi %add3A_81, %add3A_186 : i32
        %dma_start3A_188 = arith.constant 0 : i32
        %dma_start3A_189 = tpu.memref_slice %arg10[%add3A_187, %dma_start3A_188] : memref<80x125xi32, #tpu.memory_space<vmem>> -> memref<1x125xi32, #tpu.memory_space<vmem>>
        %dma_start3A_190 = tpu.memref_squeeze %dma_start3A_189 : memref<1x125xi32, #tpu.memory_space<vmem>> -> memref<125xi32, #tpu.memory_space<vmem>>
        %dma_start3A_191 = arith.constant 0 : i32
        %dma_start3A_192 = arith.constant 0 : i32
        %dma_start3A_193 = tpu.memref_slice %arg2[%dma_start3A_191, %dma_start3A_192] : memref<10000x64xf32, #tpu.memory_space<hbm>> -> memref<10000x64xf32, #tpu.memory_space<hbm>>
        tpu.enqueue_indirect_dma source(%dma_start3A_193 : memref<10000x64xf32, #tpu.memory_space<hbm>>) target(%arg15 : memref<125x64xf32, #tpu.memory_space<vmem>>) offsets(%dma_start3A_190 : memref<125xi32, #tpu.memory_space<vmem>>) semaphore(%arg21 : memref<!tpu.dma_semaphore, #tpu.memory_space<semaphore_mem>>)
      } else {
      }
      %mul3A_102 = arith.constant 4 : i32
      %mul3A_103 = arith.muli %mul3A_102, %scan3A_77 : i32
      %add3A_104 = arith.constant 1 : i32
      %add3A_105 = arith.addi %mul3A_103, %add3A_104 : i32
      %dma_wait3A_106 = arith.constant 0 : i32
      %dma_wait3A_107 = tpu.memref_slice %arg10[%add3A_105, %dma_wait3A_106] : memref<80x125xi32, #tpu.memory_space<vmem>> -> memref<1x125xi32, #tpu.memory_space<vmem>>
      %dma_wait3A_108 = tpu.memref_squeeze %dma_wait3A_107 : memref<1x125xi32, #tpu.memory_space<vmem>> -> memref<125xi32, #tpu.memory_space<vmem>>
      %dma_wait3A_109 = arith.constant 0 : i32
      %dma_wait3A_110 = arith.constant 0 : i32
      %dma_wait3A_111 = tpu.memref_slice %arg2[%dma_wait3A_109, %dma_wait3A_110] : memref<10000x64xf32, #tpu.memory_space<hbm>> -> memref<10000x64xf32, #tpu.memory_space<hbm>>
      tpu.wait_indirect_dma semaphore(%arg20 : memref<!tpu.dma_semaphore, #tpu.memory_space<semaphore_mem>>) src(%dma_wait3A_111 : memref<10000x64xf32, #tpu.memory_space<hbm>>) dst(%arg14 : memref<125x64xf32, #tpu.memory_space<vmem>>)
      %ge3A_112 = arith.constant 1 : i32
      %ge3A_113 = arith.cmpi sge, %add3A_105, %ge3A_112 : i32
      %convert_element_type3A_114 = arith.extui %ge3A_113 : i1 to i32
      %cond3A_115 = arith.constant 0 : i32
      %cond3A_116 = arith.cmpi ne, %convert_element_type3A_114, %cond3A_115 : i32
      scf.if %cond3A_116 {
        %dma_wait3A_186 = arith.constant 0 : i32
        %dma_wait3A_187 = tpu.memref_slice %arg11[%add3A_105, %dma_wait3A_186] : memref<80x125xi32, #tpu.memory_space<vmem>> -> memref<1x125xi32, #tpu.memory_space<vmem>>
        %dma_wait3A_188 = tpu.memref_squeeze %dma_wait3A_187 : memref<1x125xi32, #tpu.memory_space<vmem>> -> memref<125xi32, #tpu.memory_space<vmem>>
        %dma_wait3A_189 = arith.constant 0 : i32
        %dma_wait3A_190 = arith.constant 0 : i32
        %dma_wait3A_191 = tpu.memref_slice %arg18[%dma_wait3A_189, %dma_wait3A_190] : memref<10240x64xf32, #tpu.memory_space<vmem_shared>> -> memref<10240x64xf32, #tpu.memory_space<vmem_shared>>
        tpu.wait_indirect_dma semaphore(%arg23 : memref<!tpu.dma_semaphore, #tpu.memory_space<semaphore_mem>>) src(%arg14 : memref<125x64xf32, #tpu.memory_space<vmem>>) dst(%dma_wait3A_191 : memref<10240x64xf32, #tpu.memory_space<vmem_shared>>)
      } else {
      }
      %dma_start3A_117 = arith.constant 0 : i32
      %dma_start3A_118 = tpu.memref_slice %arg11[%add3A_105, %dma_start3A_117] : memref<80x125xi32, #tpu.memory_space<vmem>> -> memref<1x125xi32, #tpu.memory_space<vmem>>
      %dma_start3A_119 = tpu.memref_squeeze %dma_start3A_118 : memref<1x125xi32, #tpu.memory_space<vmem>> -> memref<125xi32, #tpu.memory_space<vmem>>
      %dma_start3A_120 = arith.constant 0 : i32
      %dma_start3A_121 = arith.constant 0 : i32
      %dma_start3A_122 = tpu.memref_slice %arg18[%dma_start3A_120, %dma_start3A_121] : memref<10240x64xf32, #tpu.memory_space<vmem_shared>> -> memref<10240x64xf32, #tpu.memory_space<vmem_shared>>
      tpu.enqueue_indirect_dma source(%arg14 : memref<125x64xf32, #tpu.memory_space<vmem>>) target(%dma_start3A_122 : memref<10240x64xf32, #tpu.memory_space<vmem_shared>>) offsets(%dma_start3A_119 : memref<125xi32, #tpu.memory_space<vmem>>) semaphore(%arg23 : memref<!tpu.dma_semaphore, #tpu.memory_space<semaphore_mem>>) {add = true}
      %add3A_123 = arith.constant 2 : i32
      %add3A_124 = arith.addi %add3A_105, %add3A_123 : i32
      %lt3A_125 = arith.constant 80 : i32
      %lt3A_126 = arith.cmpi slt, %add3A_124, %lt3A_125 : i32
      %convert_element_type3A_127 = arith.extui %lt3A_126 : i1 to i32
      %cond3A_128 = arith.constant 0 : i32
      %cond3A_129 = arith.cmpi ne, %convert_element_type3A_127, %cond3A_128 : i32
      scf.if %cond3A_129 {
        %add3A_186 = arith.constant 2 : i32
        %add3A_187 = arith.addi %add3A_105, %add3A_186 : i32
        %dma_start3A_188 = arith.constant 0 : i32
        %dma_start3A_189 = tpu.memref_slice %arg10[%add3A_187, %dma_start3A_188] : memref<80x125xi32, #tpu.memory_space<vmem>> -> memref<1x125xi32, #tpu.memory_space<vmem>>
        %dma_start3A_190 = tpu.memref_squeeze %dma_start3A_189 : memref<1x125xi32, #tpu.memory_space<vmem>> -> memref<125xi32, #tpu.memory_space<vmem>>
        %dma_start3A_191 = arith.constant 0 : i32
        %dma_start3A_192 = arith.constant 0 : i32
        %dma_start3A_193 = tpu.memref_slice %arg2[%dma_start3A_191, %dma_start3A_192] : memref<10000x64xf32, #tpu.memory_space<hbm>> -> memref<10000x64xf32, #tpu.memory_space<hbm>>
        tpu.enqueue_indirect_dma source(%dma_start3A_193 : memref<10000x64xf32, #tpu.memory_space<hbm>>) target(%arg16 : memref<125x64xf32, #tpu.memory_space<vmem>>) offsets(%dma_start3A_190 : memref<125xi32, #tpu.memory_space<vmem>>) semaphore(%arg22 : memref<!tpu.dma_semaphore, #tpu.memory_space<semaphore_mem>>)
      } else {
      }
      %mul3A_130 = arith.constant 4 : i32
      %mul3A_131 = arith.muli %mul3A_130, %scan3A_77 : i32
      %add3A_132 = arith.constant 2 : i32
      %add3A_133 = arith.addi %mul3A_131, %add3A_132 : i32
      %dma_wait3A_134 = arith.constant 0 : i32
      %dma_wait3A_135 = tpu.memref_slice %arg10[%add3A_133, %dma_wait3A_134] : memref<80x125xi32, #tpu.memory_space<vmem>> -> memref<1x125xi32, #tpu.memory_space<vmem>>
      %dma_wait3A_136 = tpu.memref_squeeze %dma_wait3A_135 : memref<1x125xi32, #tpu.memory_space<vmem>> -> memref<125xi32, #tpu.memory_space<vmem>>
      %dma_wait3A_137 = arith.constant 0 : i32
      %dma_wait3A_138 = arith.constant 0 : i32
      %dma_wait3A_139 = tpu.memref_slice %arg2[%dma_wait3A_137, %dma_wait3A_138] : memref<10000x64xf32, #tpu.memory_space<hbm>> -> memref<10000x64xf32, #tpu.memory_space<hbm>>
      tpu.wait_indirect_dma semaphore(%arg21 : memref<!tpu.dma_semaphore, #tpu.memory_space<semaphore_mem>>) src(%dma_wait3A_139 : memref<10000x64xf32, #tpu.memory_space<hbm>>) dst(%arg15 : memref<125x64xf32, #tpu.memory_space<vmem>>)
      %ge3A_140 = arith.constant 1 : i32
      %ge3A_141 = arith.cmpi sge, %add3A_133, %ge3A_140 : i32
      %convert_element_type3A_142 = arith.extui %ge3A_141 : i1 to i32
      %cond3A_143 = arith.constant 0 : i32
      %cond3A_144 = arith.cmpi ne, %convert_element_type3A_142, %cond3A_143 : i32
      scf.if %cond3A_144 {
        %dma_wait3A_186 = arith.constant 0 : i32
        %dma_wait3A_187 = tpu.memref_slice %arg11[%add3A_133, %dma_wait3A_186] : memref<80x125xi32, #tpu.memory_space<vmem>> -> memref<1x125xi32, #tpu.memory_space<vmem>>
        %dma_wait3A_188 = tpu.memref_squeeze %dma_wait3A_187 : memref<1x125xi32, #tpu.memory_space<vmem>> -> memref<125xi32, #tpu.memory_space<vmem>>
        %dma_wait3A_189 = arith.constant 0 : i32
        %dma_wait3A_190 = arith.constant 0 : i32
        %dma_wait3A_191 = tpu.memref_slice %arg18[%dma_wait3A_189, %dma_wait3A_190] : memref<10240x64xf32, #tpu.memory_space<vmem_shared>> -> memref<10240x64xf32, #tpu.memory_space<vmem_shared>>
        tpu.wait_indirect_dma semaphore(%arg23 : memref<!tpu.dma_semaphore, #tpu.memory_space<semaphore_mem>>) src(%arg15 : memref<125x64xf32, #tpu.memory_space<vmem>>) dst(%dma_wait3A_191 : memref<10240x64xf32, #tpu.memory_space<vmem_shared>>)
      } else {
      }
      %dma_start3A_145 = arith.constant 0 : i32
      %dma_start3A_146 = tpu.memref_slice %arg11[%add3A_133, %dma_start3A_145] : memref<80x125xi32, #tpu.memory_space<vmem>> -> memref<1x125xi32, #tpu.memory_space<vmem>>
      %dma_start3A_147 = tpu.memref_squeeze %dma_start3A_146 : memref<1x125xi32, #tpu.memory_space<vmem>> -> memref<125xi32, #tpu.memory_space<vmem>>
      %dma_start3A_148 = arith.constant 0 : i32
      %dma_start3A_149 = arith.constant 0 : i32
      %dma_start3A_150 = tpu.memref_slice %arg18[%dma_start3A_148, %dma_start3A_149] : memref<10240x64xf32, #tpu.memory_space<vmem_shared>> -> memref<10240x64xf32, #tpu.memory_space<vmem_shared>>
      tpu.enqueue_indirect_dma source(%arg15 : memref<125x64xf32, #tpu.memory_space<vmem>>) target(%dma_start3A_150 : memref<10240x64xf32, #tpu.memory_space<vmem_shared>>) offsets(%dma_start3A_147 : memref<125xi32, #tpu.memory_space<vmem>>) semaphore(%arg23 : memref<!tpu.dma_semaphore, #tpu.memory_space<semaphore_mem>>) {add = true}
      %add3A_151 = arith.constant 2 : i32
      %add3A_152 = arith.addi %add3A_133, %add3A_151 : i32
      %lt3A_153 = arith.constant 80 : i32
      %lt3A_154 = arith.cmpi slt, %add3A_152, %lt3A_153 : i32
      %convert_element_type3A_155 = arith.extui %lt3A_154 : i1 to i32
      %cond3A_156 = arith.constant 0 : i32
      %cond3A_157 = arith.cmpi ne, %convert_element_type3A_155, %cond3A_156 : i32
      scf.if %cond3A_157 {
        %add3A_186 = arith.constant 2 : i32
        %add3A_187 = arith.addi %add3A_133, %add3A_186 : i32
        %dma_start3A_188 = arith.constant 0 : i32
        %dma_start3A_189 = tpu.memref_slice %arg10[%add3A_187, %dma_start3A_188] : memref<80x125xi32, #tpu.memory_space<vmem>> -> memref<1x125xi32, #tpu.memory_space<vmem>>
        %dma_start3A_190 = tpu.memref_squeeze %dma_start3A_189 : memref<1x125xi32, #tpu.memory_space<vmem>> -> memref<125xi32, #tpu.memory_space<vmem>>
        %dma_start3A_191 = arith.constant 0 : i32
        %dma_start3A_192 = arith.constant 0 : i32
        %dma_start3A_193 = tpu.memref_slice %arg2[%dma_start3A_191, %dma_start3A_192] : memref<10000x64xf32, #tpu.memory_space<hbm>> -> memref<10000x64xf32, #tpu.memory_space<hbm>>
        tpu.enqueue_indirect_dma source(%dma_start3A_193 : memref<10000x64xf32, #tpu.memory_space<hbm>>) target(%arg13 : memref<125x64xf32, #tpu.memory_space<vmem>>) offsets(%dma_start3A_190 : memref<125xi32, #tpu.memory_space<vmem>>) semaphore(%arg19 : memref<!tpu.dma_semaphore, #tpu.memory_space<semaphore_mem>>)
      } else {
      }
      %mul3A_158 = arith.constant 4 : i32
      %mul3A_159 = arith.muli %mul3A_158, %scan3A_77 : i32
      %add3A_160 = arith.constant 3 : i32
      %add3A_161 = arith.addi %mul3A_159, %add3A_160 : i32
      %dma_wait3A_162 = arith.constant 0 : i32
      %dma_wait3A_163 = tpu.memref_slice %arg10[%add3A_161, %dma_wait3A_162] : memref<80x125xi32, #tpu.memory_space<vmem>> -> memref<1x125xi32, #tpu.memory_space<vmem>>
      %dma_wait3A_164 = tpu.memref_squeeze %dma_wait3A_163 : memref<1x125xi32, #tpu.memory_space<vmem>> -> memref<125xi32, #tpu.memory_space<vmem>>
      %dma_wait3A_165 = arith.constant 0 : i32
      %dma_wait3A_166 = arith.constant 0 : i32
      %dma_wait3A_167 = tpu.memref_slice %arg2[%dma_wait3A_165, %dma_wait3A_166] : memref<10000x64xf32, #tpu.memory_space<hbm>> -> memref<10000x64xf32, #tpu.memory_space<hbm>>
      tpu.wait_indirect_dma semaphore(%arg22 : memref<!tpu.dma_semaphore, #tpu.memory_space<semaphore_mem>>) src(%dma_wait3A_167 : memref<10000x64xf32, #tpu.memory_space<hbm>>) dst(%arg16 : memref<125x64xf32, #tpu.memory_space<vmem>>)
      %ge3A_168 = arith.constant 1 : i32
      %ge3A_169 = arith.cmpi sge, %add3A_161, %ge3A_168 : i32
      %convert_element_type3A_170 = arith.extui %ge3A_169 : i1 to i32
      %cond3A_171 = arith.constant 0 : i32
      %cond3A_172 = arith.cmpi ne, %convert_element_type3A_170, %cond3A_171 : i32
      scf.if %cond3A_172 {
        %dma_wait3A_186 = arith.constant 0 : i32
        %dma_wait3A_187 = tpu.memref_slice %arg11[%add3A_161, %dma_wait3A_186] : memref<80x125xi32, #tpu.memory_space<vmem>> -> memref<1x125xi32, #tpu.memory_space<vmem>>
        %dma_wait3A_188 = tpu.memref_squeeze %dma_wait3A_187 : memref<1x125xi32, #tpu.memory_space<vmem>> -> memref<125xi32, #tpu.memory_space<vmem>>
        %dma_wait3A_189 = arith.constant 0 : i32
        %dma_wait3A_190 = arith.constant 0 : i32
        %dma_wait3A_191 = tpu.memref_slice %arg18[%dma_wait3A_189, %dma_wait3A_190] : memref<10240x64xf32, #tpu.memory_space<vmem_shared>> -> memref<10240x64xf32, #tpu.memory_space<vmem_shared>>
        tpu.wait_indirect_dma semaphore(%arg23 : memref<!tpu.dma_semaphore, #tpu.memory_space<semaphore_mem>>) src(%arg16 : memref<125x64xf32, #tpu.memory_space<vmem>>) dst(%dma_wait3A_191 : memref<10240x64xf32, #tpu.memory_space<vmem_shared>>)
      } else {
      }
      %dma_start3A_173 = arith.constant 0 : i32
      %dma_start3A_174 = tpu.memref_slice %arg11[%add3A_161, %dma_start3A_173] : memref<80x125xi32, #tpu.memory_space<vmem>> -> memref<1x125xi32, #tpu.memory_space<vmem>>
      %dma_start3A_175 = tpu.memref_squeeze %dma_start3A_174 : memref<1x125xi32, #tpu.memory_space<vmem>> -> memref<125xi32, #tpu.memory_space<vmem>>
      %dma_start3A_176 = arith.constant 0 : i32
      %dma_start3A_177 = arith.constant 0 : i32
      %dma_start3A_178 = tpu.memref_slice %arg18[%dma_start3A_176, %dma_start3A_177] : memref<10240x64xf32, #tpu.memory_space<vmem_shared>> -> memref<10240x64xf32, #tpu.memory_space<vmem_shared>>
      tpu.enqueue_indirect_dma source(%arg16 : memref<125x64xf32, #tpu.memory_space<vmem>>) target(%dma_start3A_178 : memref<10240x64xf32, #tpu.memory_space<vmem_shared>>) offsets(%dma_start3A_175 : memref<125xi32, #tpu.memory_space<vmem>>) semaphore(%arg23 : memref<!tpu.dma_semaphore, #tpu.memory_space<semaphore_mem>>) {add = true}
      %add3A_179 = arith.constant 2 : i32
      %add3A_180 = arith.addi %add3A_161, %add3A_179 : i32
      %lt3A_181 = arith.constant 80 : i32
      %lt3A_182 = arith.cmpi slt, %add3A_180, %lt3A_181 : i32
      %convert_element_type3A_183 = arith.extui %lt3A_182 : i1 to i32
      %cond3A_184 = arith.constant 0 : i32
      %cond3A_185 = arith.cmpi ne, %convert_element_type3A_183, %cond3A_184 : i32
      scf.if %cond3A_185 {
        %add3A_186 = arith.constant 2 : i32
        %add3A_187 = arith.addi %add3A_161, %add3A_186 : i32
        %dma_start3A_188 = arith.constant 0 : i32
        %dma_start3A_189 = tpu.memref_slice %arg10[%add3A_187, %dma_start3A_188] : memref<80x125xi32, #tpu.memory_space<vmem>> -> memref<1x125xi32, #tpu.memory_space<vmem>>
        %dma_start3A_190 = tpu.memref_squeeze %dma_start3A_189 : memref<1x125xi32, #tpu.memory_space<vmem>> -> memref<125xi32, #tpu.memory_space<vmem>>
        %dma_start3A_191 = arith.constant 0 : i32
        %dma_start3A_192 = arith.constant 0 : i32
        %dma_start3A_193 = tpu.memref_slice %arg2[%dma_start3A_191, %dma_start3A_192] : memref<10000x64xf32, #tpu.memory_space<hbm>> -> memref<10000x64xf32, #tpu.memory_space<hbm>>
        tpu.enqueue_indirect_dma source(%dma_start3A_193 : memref<10000x64xf32, #tpu.memory_space<hbm>>) target(%arg14 : memref<125x64xf32, #tpu.memory_space<vmem>>) offsets(%dma_start3A_190 : memref<125xi32, #tpu.memory_space<vmem>>) semaphore(%arg20 : memref<!tpu.dma_semaphore, #tpu.memory_space<semaphore_mem>>)
      } else {
      }
    }
    %scan3A_28 = arith.constant 20 : i32
    %dma_wait3A = arith.constant 0 : i32
    %dma_wait3A_29 = arith.constant 0 : i32
    %dma_wait3A_30 = tpu.memref_slice %arg11[%dma_wait3A, %dma_wait3A_29] : memref<80x125xi32, #tpu.memory_space<vmem>> -> memref<1x125xi32, #tpu.memory_space<vmem>>
    %dma_wait3A_31 = tpu.memref_squeeze %dma_wait3A_30 : memref<1x125xi32, #tpu.memory_space<vmem>> -> memref<125xi32, #tpu.memory_space<vmem>>
    %dma_wait3A_32 = arith.constant 0 : i32
    %dma_wait3A_33 = arith.constant 0 : i32
    %dma_wait3A_34 = tpu.memref_slice %arg18[%dma_wait3A_32, %dma_wait3A_33] : memref<10240x64xf32, #tpu.memory_space<vmem_shared>> -> memref<10240x64xf32, #tpu.memory_space<vmem_shared>>
    tpu.wait_indirect_dma semaphore(%arg23 : memref<!tpu.dma_semaphore, #tpu.memory_space<semaphore_mem>>) src(%arg16 : memref<125x64xf32, #tpu.memory_space<vmem>>) dst(%dma_wait3A_34 : memref<10240x64xf32, #tpu.memory_space<vmem_shared>>)
    %barrier3A_35 = arith.constant 0 : index
    tpu.barrier barrier_id(%barrier3A_35)
    %mul3A_36 = arith.constant 640 : i32
    %mul3A_37 = arith.muli %arg1, %mul3A_36 : i32
    %mul3A_38 = arith.constant 640 : i32
    %mul3A_39 = arith.muli %arg1, %mul3A_38 : i32
    "tpu.region"() ({
      %run_scoped3A = tpu.sem_alloc : memref<!tpu.dma_semaphore, #tpu.memory_space<semaphore_mem>>
      %dma_start3A_77 = arith.constant 0 : i32
      %dma_start3A_78 = tpu.memref_slice %arg8[%arg0, %mul3A_39, %dma_start3A_77] : memref<2x10240x64xf32, #tpu.memory_space<hbm>> -> memref<1x640x64xf32, #tpu.memory_space<hbm>>
      %dma_start3A_79 = tpu.memref_squeeze %dma_start3A_78 : memref<1x640x64xf32, #tpu.memory_space<hbm>> -> memref<640x64xf32, #tpu.memory_space<hbm>>
      %dma_start3A_80 = arith.constant 0 : i32
      %dma_start3A_81 = tpu.memref_slice %arg18[%mul3A_37, %dma_start3A_80] : memref<10240x64xf32, #tpu.memory_space<vmem_shared>> -> memref<640x64xf32, #tpu.memory_space<vmem_shared>>
      tpu.enqueue_dma source(%dma_start3A_81 : memref<640x64xf32, #tpu.memory_space<vmem_shared>>) target(%dma_start3A_79 : memref<640x64xf32, #tpu.memory_space<hbm>>) target_semaphore(%run_scoped3A : memref<!tpu.dma_semaphore, #tpu.memory_space<semaphore_mem>>)
      %dma_wait3A_82 = arith.constant 0 : i32
      %dma_wait3A_83 = tpu.memref_slice %arg8[%arg0, %mul3A_39, %dma_wait3A_82] : memref<2x10240x64xf32, #tpu.memory_space<hbm>> -> memref<1x640x64xf32, #tpu.memory_space<hbm>>
      %dma_wait3A_84 = tpu.memref_squeeze %dma_wait3A_83 : memref<1x640x64xf32, #tpu.memory_space<hbm>> -> memref<640x64xf32, #tpu.memory_space<hbm>>
      %dma_wait3A_85 = arith.constant 0 : i32
      %dma_wait3A_86 = tpu.memref_slice %arg18[%mul3A_37, %dma_wait3A_85] : memref<10240x64xf32, #tpu.memory_space<vmem_shared>> -> memref<640x64xf32, #tpu.memory_space<vmem_shared>>
      tpu.wait_dma2 semaphore(%run_scoped3A : memref<!tpu.dma_semaphore, #tpu.memory_space<semaphore_mem>>) src(%dma_wait3A_86 : memref<640x64xf32, #tpu.memory_space<vmem_shared>>) dst(%dma_wait3A_84 : memref<640x64xf32, #tpu.memory_space<hbm>>)
      tpu.yield
    }) : () -> ()
    %mul3A_40 = arith.constant 640 : i32
    %mul3A_41 = arith.muli %arg1, %mul3A_40 : i32
    %mul3A_42 = arith.constant 640 : i32
    %mul3A_43 = arith.muli %arg1, %mul3A_42 : i32
    "tpu.region"() ({
      %run_scoped3A = tpu.sem_alloc : memref<!tpu.dma_semaphore, #tpu.memory_space<semaphore_mem>>
      %dma_start3A_77 = arith.constant 0 : i32
      %dma_start3A_78 = tpu.memref_slice %arg18[%mul3A_43, %dma_start3A_77] : memref<10240x64xf32, #tpu.memory_space<vmem_shared>> -> memref<640x64xf32, #tpu.memory_space<vmem_shared>>
      %dma_start3A_79 = arith.constant 0 : i32
      %dma_start3A_80 = tpu.memref_slice %arg6[%mul3A_41, %dma_start3A_79] : memref<10240x64xf32, #tpu.memory_space<hbm>> -> memref<640x64xf32, #tpu.memory_space<hbm>>
      tpu.enqueue_dma source(%dma_start3A_80 : memref<640x64xf32, #tpu.memory_space<hbm>>) target(%dma_start3A_78 : memref<640x64xf32, #tpu.memory_space<vmem_shared>>) target_semaphore(%run_scoped3A : memref<!tpu.dma_semaphore, #tpu.memory_space<semaphore_mem>>)
      %dma_wait3A_81 = arith.constant 0 : i32
      %dma_wait3A_82 = tpu.memref_slice %arg18[%mul3A_43, %dma_wait3A_81] : memref<10240x64xf32, #tpu.memory_space<vmem_shared>> -> memref<640x64xf32, #tpu.memory_space<vmem_shared>>
      %dma_wait3A_83 = arith.constant 0 : i32
      %dma_wait3A_84 = tpu.memref_slice %arg6[%mul3A_41, %dma_wait3A_83] : memref<10240x64xf32, #tpu.memory_space<hbm>> -> memref<640x64xf32, #tpu.memory_space<hbm>>
      tpu.wait_dma2 semaphore(%run_scoped3A : memref<!tpu.dma_semaphore, #tpu.memory_space<semaphore_mem>>) src(%dma_wait3A_84 : memref<640x64xf32, #tpu.memory_space<hbm>>) dst(%dma_wait3A_82 : memref<640x64xf32, #tpu.memory_space<vmem_shared>>)
      tpu.yield
    }) : () -> ()
    %barrier3A_44 = arith.constant 0 : index
    tpu.barrier barrier_id(%barrier3A_44)
    %dma_start3A_45 = arith.constant 0 : i32
    %dma_start3A_46 = arith.constant 0 : i32
    %dma_start3A_47 = tpu.memref_slice %arg10[%dma_start3A_45, %dma_start3A_46] : memref<80x125xi32, #tpu.memory_space<vmem>> -> memref<1x125xi32, #tpu.memory_space<vmem>>
    %dma_start3A_48 = tpu.memref_squeeze %dma_start3A_47 : memref<1x125xi32, #tpu.memory_space<vmem>> -> memref<125xi32, #tpu.memory_space<vmem>>
    %dma_start3A_49 = arith.constant 0 : i32
    %dma_start3A_50 = arith.constant 0 : i32
    %dma_start3A_51 = tpu.memref_slice %arg3[%dma_start3A_49, %dma_start3A_50] : memref<10000x64xf32, #tpu.memory_space<hbm>> -> memref<10000x64xf32, #tpu.memory_space<hbm>>
    tpu.enqueue_indirect_dma source(%dma_start3A_51 : memref<10000x64xf32, #tpu.memory_space<hbm>>) target(%arg13 : memref<125x64xf32, #tpu.memory_space<vmem>>) offsets(%dma_start3A_48 : memref<125xi32, #tpu.memory_space<vmem>>) semaphore(%arg19 : memref<!tpu.dma_semaphore, #tpu.memory_space<semaphore_mem>>)
    %dma_start3A_52 = arith.constant 1 : i32
    %dma_start3A_53 = arith.constant 0 : i32
    %dma_start3A_54 = tpu.memref_slice %arg10[%dma_start3A_52, %dma_start3A_53] : memref<80x125xi32, #tpu.memory_space<vmem>> -> memref<1x125xi32, #tpu.memory_space<vmem>>
    %dma_start3A_55 = tpu.memref_squeeze %dma_start3A_54 : memref<1x125xi32, #tpu.memory_space<vmem>> -> memref<125xi32, #tpu.memory_space<vmem>>
    %dma_start3A_56 = arith.constant 0 : i32
    %dma_start3A_57 = arith.constant 0 : i32
    %dma_start3A_58 = tpu.memref_slice %arg3[%dma_start3A_56, %dma_start3A_57] : memref<10000x64xf32, #tpu.memory_space<hbm>> -> memref<10000x64xf32, #tpu.memory_space<hbm>>
    tpu.enqueue_indirect_dma source(%dma_start3A_58 : memref<10000x64xf32, #tpu.memory_space<hbm>>) target(%arg14 : memref<125x64xf32, #tpu.memory_space<vmem>>) offsets(%dma_start3A_55 : memref<125xi32, #tpu.memory_space<vmem>>) semaphore(%arg20 : memref<!tpu.dma_semaphore, #tpu.memory_space<semaphore_mem>>)
    %scan3A_59 = arith.constant 0 : i32
    %scan3A_60 = arith.constant 0 : i32
    %scan3A_61 = arith.constant 20 : i32
    %scan3A_62 = arith.addi %scan3A_60, %scan3A_61 : i32
    %scan3A_63 = arith.constant 1 : i32
    scf.for %scan3A_77 = %scan3A_60 to %scan3A_62 step %scan3A_63  : i32 {
      %mul3A_78 = arith.constant 4 : i32
      %mul3A_79 = arith.muli %mul3A_78, %scan3A_77 : i32
      %add3A_80 = arith.constant 0 : i32
      %add3A_81 = arith.addi %mul3A_79, %add3A_80 : i32
      %dma_wait3A_82 = arith.constant 0 : i32
      %dma_wait3A_83 = tpu.memref_slice %arg10[%add3A_81, %dma_wait3A_82] : memref<80x125xi32, #tpu.memory_space<vmem>> -> memref<1x125xi32, #tpu.memory_space<vmem>>
      %dma_wait3A_84 = tpu.memref_squeeze %dma_wait3A_83 : memref<1x125xi32, #tpu.memory_space<vmem>> -> memref<125xi32, #tpu.memory_space<vmem>>
      %dma_wait3A_85 = arith.constant 0 : i32
      %dma_wait3A_86 = arith.constant 0 : i32
      %dma_wait3A_87 = tpu.memref_slice %arg3[%dma_wait3A_85, %dma_wait3A_86] : memref<10000x64xf32, #tpu.memory_space<hbm>> -> memref<10000x64xf32, #tpu.memory_space<hbm>>
      tpu.wait_indirect_dma semaphore(%arg19 : memref<!tpu.dma_semaphore, #tpu.memory_space<semaphore_mem>>) src(%dma_wait3A_87 : memref<10000x64xf32, #tpu.memory_space<hbm>>) dst(%arg13 : memref<125x64xf32, #tpu.memory_space<vmem>>)
      %ge3A = arith.constant 1 : i32
      %ge3A_88 = arith.cmpi sge, %add3A_81, %ge3A : i32
      %convert_element_type3A = arith.extui %ge3A_88 : i1 to i32
      %cond3A = arith.constant 0 : i32
      %cond3A_89 = arith.cmpi ne, %convert_element_type3A, %cond3A : i32
      scf.if %cond3A_89 {
        %dma_wait3A_186 = arith.constant 0 : i32
        %dma_wait3A_187 = tpu.memref_slice %arg11[%add3A_81, %dma_wait3A_186] : memref<80x125xi32, #tpu.memory_space<vmem>> -> memref<1x125xi32, #tpu.memory_space<vmem>>
        %dma_wait3A_188 = tpu.memref_squeeze %dma_wait3A_187 : memref<1x125xi32, #tpu.memory_space<vmem>> -> memref<125xi32, #tpu.memory_space<vmem>>
        %dma_wait3A_189 = arith.constant 0 : i32
        %dma_wait3A_190 = arith.constant 0 : i32
        %dma_wait3A_191 = tpu.memref_slice %arg18[%dma_wait3A_189, %dma_wait3A_190] : memref<10240x64xf32, #tpu.memory_space<vmem_shared>> -> memref<10240x64xf32, #tpu.memory_space<vmem_shared>>
        tpu.wait_indirect_dma semaphore(%arg23 : memref<!tpu.dma_semaphore, #tpu.memory_space<semaphore_mem>>) src(%arg13 : memref<125x64xf32, #tpu.memory_space<vmem>>) dst(%dma_wait3A_191 : memref<10240x64xf32, #tpu.memory_space<vmem_shared>>)
      } else {
      }
      %dma_start3A_90 = arith.constant 0 : i32
      %dma_start3A_91 = tpu.memref_slice %arg11[%add3A_81, %dma_start3A_90] : memref<80x125xi32, #tpu.memory_space<vmem>> -> memref<1x125xi32, #tpu.memory_space<vmem>>
      %dma_start3A_92 = tpu.memref_squeeze %dma_start3A_91 : memref<1x125xi32, #tpu.memory_space<vmem>> -> memref<125xi32, #tpu.memory_space<vmem>>
      %dma_start3A_93 = arith.constant 0 : i32
      %dma_start3A_94 = arith.constant 0 : i32
      %dma_start3A_95 = tpu.memref_slice %arg18[%dma_start3A_93, %dma_start3A_94] : memref<10240x64xf32, #tpu.memory_space<vmem_shared>> -> memref<10240x64xf32, #tpu.memory_space<vmem_shared>>
      tpu.enqueue_indirect_dma source(%arg13 : memref<125x64xf32, #tpu.memory_space<vmem>>) target(%dma_start3A_95 : memref<10240x64xf32, #tpu.memory_space<vmem_shared>>) offsets(%dma_start3A_92 : memref<125xi32, #tpu.memory_space<vmem>>) semaphore(%arg23 : memref<!tpu.dma_semaphore, #tpu.memory_space<semaphore_mem>>) {add = true}
      %add3A_96 = arith.constant 2 : i32
      %add3A_97 = arith.addi %add3A_81, %add3A_96 : i32
      %lt3A = arith.constant 80 : i32
      %lt3A_98 = arith.cmpi slt, %add3A_97, %lt3A : i32
      %convert_element_type3A_99 = arith.extui %lt3A_98 : i1 to i32
      %cond3A_100 = arith.constant 0 : i32
      %cond3A_101 = arith.cmpi ne, %convert_element_type3A_99, %cond3A_100 : i32
      scf.if %cond3A_101 {
        %add3A_186 = arith.constant 2 : i32
        %add3A_187 = arith.addi %add3A_81, %add3A_186 : i32
        %dma_start3A_188 = arith.constant 0 : i32
        %dma_start3A_189 = tpu.memref_slice %arg10[%add3A_187, %dma_start3A_188] : memref<80x125xi32, #tpu.memory_space<vmem>> -> memref<1x125xi32, #tpu.memory_space<vmem>>
        %dma_start3A_190 = tpu.memref_squeeze %dma_start3A_189 : memref<1x125xi32, #tpu.memory_space<vmem>> -> memref<125xi32, #tpu.memory_space<vmem>>
        %dma_start3A_191 = arith.constant 0 : i32
        %dma_start3A_192 = arith.constant 0 : i32
        %dma_start3A_193 = tpu.memref_slice %arg3[%dma_start3A_191, %dma_start3A_192] : memref<10000x64xf32, #tpu.memory_space<hbm>> -> memref<10000x64xf32, #tpu.memory_space<hbm>>
        tpu.enqueue_indirect_dma source(%dma_start3A_193 : memref<10000x64xf32, #tpu.memory_space<hbm>>) target(%arg15 : memref<125x64xf32, #tpu.memory_space<vmem>>) offsets(%dma_start3A_190 : memref<125xi32, #tpu.memory_space<vmem>>) semaphore(%arg21 : memref<!tpu.dma_semaphore, #tpu.memory_space<semaphore_mem>>)
      } else {
      }
      %mul3A_102 = arith.constant 4 : i32
      %mul3A_103 = arith.muli %mul3A_102, %scan3A_77 : i32
      %add3A_104 = arith.constant 1 : i32
      %add3A_105 = arith.addi %mul3A_103, %add3A_104 : i32
      %dma_wait3A_106 = arith.constant 0 : i32
      %dma_wait3A_107 = tpu.memref_slice %arg10[%add3A_105, %dma_wait3A_106] : memref<80x125xi32, #tpu.memory_space<vmem>> -> memref<1x125xi32, #tpu.memory_space<vmem>>
      %dma_wait3A_108 = tpu.memref_squeeze %dma_wait3A_107 : memref<1x125xi32, #tpu.memory_space<vmem>> -> memref<125xi32, #tpu.memory_space<vmem>>
      %dma_wait3A_109 = arith.constant 0 : i32
      %dma_wait3A_110 = arith.constant 0 : i32
      %dma_wait3A_111 = tpu.memref_slice %arg3[%dma_wait3A_109, %dma_wait3A_110] : memref<10000x64xf32, #tpu.memory_space<hbm>> -> memref<10000x64xf32, #tpu.memory_space<hbm>>
      tpu.wait_indirect_dma semaphore(%arg20 : memref<!tpu.dma_semaphore, #tpu.memory_space<semaphore_mem>>) src(%dma_wait3A_111 : memref<10000x64xf32, #tpu.memory_space<hbm>>) dst(%arg14 : memref<125x64xf32, #tpu.memory_space<vmem>>)
      %ge3A_112 = arith.constant 1 : i32
      %ge3A_113 = arith.cmpi sge, %add3A_105, %ge3A_112 : i32
      %convert_element_type3A_114 = arith.extui %ge3A_113 : i1 to i32
      %cond3A_115 = arith.constant 0 : i32
      %cond3A_116 = arith.cmpi ne, %convert_element_type3A_114, %cond3A_115 : i32
      scf.if %cond3A_116 {
        %dma_wait3A_186 = arith.constant 0 : i32
        %dma_wait3A_187 = tpu.memref_slice %arg11[%add3A_105, %dma_wait3A_186] : memref<80x125xi32, #tpu.memory_space<vmem>> -> memref<1x125xi32, #tpu.memory_space<vmem>>
        %dma_wait3A_188 = tpu.memref_squeeze %dma_wait3A_187 : memref<1x125xi32, #tpu.memory_space<vmem>> -> memref<125xi32, #tpu.memory_space<vmem>>
        %dma_wait3A_189 = arith.constant 0 : i32
        %dma_wait3A_190 = arith.constant 0 : i32
        %dma_wait3A_191 = tpu.memref_slice %arg18[%dma_wait3A_189, %dma_wait3A_190] : memref<10240x64xf32, #tpu.memory_space<vmem_shared>> -> memref<10240x64xf32, #tpu.memory_space<vmem_shared>>
        tpu.wait_indirect_dma semaphore(%arg23 : memref<!tpu.dma_semaphore, #tpu.memory_space<semaphore_mem>>) src(%arg14 : memref<125x64xf32, #tpu.memory_space<vmem>>) dst(%dma_wait3A_191 : memref<10240x64xf32, #tpu.memory_space<vmem_shared>>)
      } else {
      }
      %dma_start3A_117 = arith.constant 0 : i32
      %dma_start3A_118 = tpu.memref_slice %arg11[%add3A_105, %dma_start3A_117] : memref<80x125xi32, #tpu.memory_space<vmem>> -> memref<1x125xi32, #tpu.memory_space<vmem>>
      %dma_start3A_119 = tpu.memref_squeeze %dma_start3A_118 : memref<1x125xi32, #tpu.memory_space<vmem>> -> memref<125xi32, #tpu.memory_space<vmem>>
      %dma_start3A_120 = arith.constant 0 : i32
      %dma_start3A_121 = arith.constant 0 : i32
      %dma_start3A_122 = tpu.memref_slice %arg18[%dma_start3A_120, %dma_start3A_121] : memref<10240x64xf32, #tpu.memory_space<vmem_shared>> -> memref<10240x64xf32, #tpu.memory_space<vmem_shared>>
      tpu.enqueue_indirect_dma source(%arg14 : memref<125x64xf32, #tpu.memory_space<vmem>>) target(%dma_start3A_122 : memref<10240x64xf32, #tpu.memory_space<vmem_shared>>) offsets(%dma_start3A_119 : memref<125xi32, #tpu.memory_space<vmem>>) semaphore(%arg23 : memref<!tpu.dma_semaphore, #tpu.memory_space<semaphore_mem>>) {add = true}
      %add3A_123 = arith.constant 2 : i32
      %add3A_124 = arith.addi %add3A_105, %add3A_123 : i32
      %lt3A_125 = arith.constant 80 : i32
      %lt3A_126 = arith.cmpi slt, %add3A_124, %lt3A_125 : i32
      %convert_element_type3A_127 = arith.extui %lt3A_126 : i1 to i32
      %cond3A_128 = arith.constant 0 : i32
      %cond3A_129 = arith.cmpi ne, %convert_element_type3A_127, %cond3A_128 : i32
      scf.if %cond3A_129 {
        %add3A_186 = arith.constant 2 : i32
        %add3A_187 = arith.addi %add3A_105, %add3A_186 : i32
        %dma_start3A_188 = arith.constant 0 : i32
        %dma_start3A_189 = tpu.memref_slice %arg10[%add3A_187, %dma_start3A_188] : memref<80x125xi32, #tpu.memory_space<vmem>> -> memref<1x125xi32, #tpu.memory_space<vmem>>
        %dma_start3A_190 = tpu.memref_squeeze %dma_start3A_189 : memref<1x125xi32, #tpu.memory_space<vmem>> -> memref<125xi32, #tpu.memory_space<vmem>>
        %dma_start3A_191 = arith.constant 0 : i32
        %dma_start3A_192 = arith.constant 0 : i32
        %dma_start3A_193 = tpu.memref_slice %arg3[%dma_start3A_191, %dma_start3A_192] : memref<10000x64xf32, #tpu.memory_space<hbm>> -> memref<10000x64xf32, #tpu.memory_space<hbm>>
        tpu.enqueue_indirect_dma source(%dma_start3A_193 : memref<10000x64xf32, #tpu.memory_space<hbm>>) target(%arg16 : memref<125x64xf32, #tpu.memory_space<vmem>>) offsets(%dma_start3A_190 : memref<125xi32, #tpu.memory_space<vmem>>) semaphore(%arg22 : memref<!tpu.dma_semaphore, #tpu.memory_space<semaphore_mem>>)
      } else {
      }
      %mul3A_130 = arith.constant 4 : i32
      %mul3A_131 = arith.muli %mul3A_130, %scan3A_77 : i32
      %add3A_132 = arith.constant 2 : i32
      %add3A_133 = arith.addi %mul3A_131, %add3A_132 : i32
      %dma_wait3A_134 = arith.constant 0 : i32
      %dma_wait3A_135 = tpu.memref_slice %arg10[%add3A_133, %dma_wait3A_134] : memref<80x125xi32, #tpu.memory_space<vmem>> -> memref<1x125xi32, #tpu.memory_space<vmem>>
      %dma_wait3A_136 = tpu.memref_squeeze %dma_wait3A_135 : memref<1x125xi32, #tpu.memory_space<vmem>> -> memref<125xi32, #tpu.memory_space<vmem>>
      %dma_wait3A_137 = arith.constant 0 : i32
      %dma_wait3A_138 = arith.constant 0 : i32
      %dma_wait3A_139 = tpu.memref_slice %arg3[%dma_wait3A_137, %dma_wait3A_138] : memref<10000x64xf32, #tpu.memory_space<hbm>> -> memref<10000x64xf32, #tpu.memory_space<hbm>>
      tpu.wait_indirect_dma semaphore(%arg21 : memref<!tpu.dma_semaphore, #tpu.memory_space<semaphore_mem>>) src(%dma_wait3A_139 : memref<10000x64xf32, #tpu.memory_space<hbm>>) dst(%arg15 : memref<125x64xf32, #tpu.memory_space<vmem>>)
      %ge3A_140 = arith.constant 1 : i32
      %ge3A_141 = arith.cmpi sge, %add3A_133, %ge3A_140 : i32
      %convert_element_type3A_142 = arith.extui %ge3A_141 : i1 to i32
      %cond3A_143 = arith.constant 0 : i32
      %cond3A_144 = arith.cmpi ne, %convert_element_type3A_142, %cond3A_143 : i32
      scf.if %cond3A_144 {
        %dma_wait3A_186 = arith.constant 0 : i32
        %dma_wait3A_187 = tpu.memref_slice %arg11[%add3A_133, %dma_wait3A_186] : memref<80x125xi32, #tpu.memory_space<vmem>> -> memref<1x125xi32, #tpu.memory_space<vmem>>
        %dma_wait3A_188 = tpu.memref_squeeze %dma_wait3A_187 : memref<1x125xi32, #tpu.memory_space<vmem>> -> memref<125xi32, #tpu.memory_space<vmem>>
        %dma_wait3A_189 = arith.constant 0 : i32
        %dma_wait3A_190 = arith.constant 0 : i32
        %dma_wait3A_191 = tpu.memref_slice %arg18[%dma_wait3A_189, %dma_wait3A_190] : memref<10240x64xf32, #tpu.memory_space<vmem_shared>> -> memref<10240x64xf32, #tpu.memory_space<vmem_shared>>
        tpu.wait_indirect_dma semaphore(%arg23 : memref<!tpu.dma_semaphore, #tpu.memory_space<semaphore_mem>>) src(%arg15 : memref<125x64xf32, #tpu.memory_space<vmem>>) dst(%dma_wait3A_191 : memref<10240x64xf32, #tpu.memory_space<vmem_shared>>)
      } else {
      }
      %dma_start3A_145 = arith.constant 0 : i32
      %dma_start3A_146 = tpu.memref_slice %arg11[%add3A_133, %dma_start3A_145] : memref<80x125xi32, #tpu.memory_space<vmem>> -> memref<1x125xi32, #tpu.memory_space<vmem>>
      %dma_start3A_147 = tpu.memref_squeeze %dma_start3A_146 : memref<1x125xi32, #tpu.memory_space<vmem>> -> memref<125xi32, #tpu.memory_space<vmem>>
      %dma_start3A_148 = arith.constant 0 : i32
      %dma_start3A_149 = arith.constant 0 : i32
      %dma_start3A_150 = tpu.memref_slice %arg18[%dma_start3A_148, %dma_start3A_149] : memref<10240x64xf32, #tpu.memory_space<vmem_shared>> -> memref<10240x64xf32, #tpu.memory_space<vmem_shared>>
      tpu.enqueue_indirect_dma source(%arg15 : memref<125x64xf32, #tpu.memory_space<vmem>>) target(%dma_start3A_150 : memref<10240x64xf32, #tpu.memory_space<vmem_shared>>) offsets(%dma_start3A_147 : memref<125xi32, #tpu.memory_space<vmem>>) semaphore(%arg23 : memref<!tpu.dma_semaphore, #tpu.memory_space<semaphore_mem>>) {add = true}
      %add3A_151 = arith.constant 2 : i32
      %add3A_152 = arith.addi %add3A_133, %add3A_151 : i32
      %lt3A_153 = arith.constant 80 : i32
      %lt3A_154 = arith.cmpi slt, %add3A_152, %lt3A_153 : i32
      %convert_element_type3A_155 = arith.extui %lt3A_154 : i1 to i32
      %cond3A_156 = arith.constant 0 : i32
      %cond3A_157 = arith.cmpi ne, %convert_element_type3A_155, %cond3A_156 : i32
      scf.if %cond3A_157 {
        %add3A_186 = arith.constant 2 : i32
        %add3A_187 = arith.addi %add3A_133, %add3A_186 : i32
        %dma_start3A_188 = arith.constant 0 : i32
        %dma_start3A_189 = tpu.memref_slice %arg10[%add3A_187, %dma_start3A_188] : memref<80x125xi32, #tpu.memory_space<vmem>> -> memref<1x125xi32, #tpu.memory_space<vmem>>
        %dma_start3A_190 = tpu.memref_squeeze %dma_start3A_189 : memref<1x125xi32, #tpu.memory_space<vmem>> -> memref<125xi32, #tpu.memory_space<vmem>>
        %dma_start3A_191 = arith.constant 0 : i32
        %dma_start3A_192 = arith.constant 0 : i32
        %dma_start3A_193 = tpu.memref_slice %arg3[%dma_start3A_191, %dma_start3A_192] : memref<10000x64xf32, #tpu.memory_space<hbm>> -> memref<10000x64xf32, #tpu.memory_space<hbm>>
        tpu.enqueue_indirect_dma source(%dma_start3A_193 : memref<10000x64xf32, #tpu.memory_space<hbm>>) target(%arg13 : memref<125x64xf32, #tpu.memory_space<vmem>>) offsets(%dma_start3A_190 : memref<125xi32, #tpu.memory_space<vmem>>) semaphore(%arg19 : memref<!tpu.dma_semaphore, #tpu.memory_space<semaphore_mem>>)
      } else {
      }
      %mul3A_158 = arith.constant 4 : i32
      %mul3A_159 = arith.muli %mul3A_158, %scan3A_77 : i32
      %add3A_160 = arith.constant 3 : i32
      %add3A_161 = arith.addi %mul3A_159, %add3A_160 : i32
      %dma_wait3A_162 = arith.constant 0 : i32
      %dma_wait3A_163 = tpu.memref_slice %arg10[%add3A_161, %dma_wait3A_162] : memref<80x125xi32, #tpu.memory_space<vmem>> -> memref<1x125xi32, #tpu.memory_space<vmem>>
      %dma_wait3A_164 = tpu.memref_squeeze %dma_wait3A_163 : memref<1x125xi32, #tpu.memory_space<vmem>> -> memref<125xi32, #tpu.memory_space<vmem>>
      %dma_wait3A_165 = arith.constant 0 : i32
      %dma_wait3A_166 = arith.constant 0 : i32
      %dma_wait3A_167 = tpu.memref_slice %arg3[%dma_wait3A_165, %dma_wait3A_166] : memref<10000x64xf32, #tpu.memory_space<hbm>> -> memref<10000x64xf32, #tpu.memory_space<hbm>>
      tpu.wait_indirect_dma semaphore(%arg22 : memref<!tpu.dma_semaphore, #tpu.memory_space<semaphore_mem>>) src(%dma_wait3A_167 : memref<10000x64xf32, #tpu.memory_space<hbm>>) dst(%arg16 : memref<125x64xf32, #tpu.memory_space<vmem>>)
      %ge3A_168 = arith.constant 1 : i32
      %ge3A_169 = arith.cmpi sge, %add3A_161, %ge3A_168 : i32
      %convert_element_type3A_170 = arith.extui %ge3A_169 : i1 to i32
      %cond3A_171 = arith.constant 0 : i32
      %cond3A_172 = arith.cmpi ne, %convert_element_type3A_170, %cond3A_171 : i32
      scf.if %cond3A_172 {
        %dma_wait3A_186 = arith.constant 0 : i32
        %dma_wait3A_187 = tpu.memref_slice %arg11[%add3A_161, %dma_wait3A_186] : memref<80x125xi32, #tpu.memory_space<vmem>> -> memref<1x125xi32, #tpu.memory_space<vmem>>
        %dma_wait3A_188 = tpu.memref_squeeze %dma_wait3A_187 : memref<1x125xi32, #tpu.memory_space<vmem>> -> memref<125xi32, #tpu.memory_space<vmem>>
        %dma_wait3A_189 = arith.constant 0 : i32
        %dma_wait3A_190 = arith.constant 0 : i32
        %dma_wait3A_191 = tpu.memref_slice %arg18[%dma_wait3A_189, %dma_wait3A_190] : memref<10240x64xf32, #tpu.memory_space<vmem_shared>> -> memref<10240x64xf32, #tpu.memory_space<vmem_shared>>
        tpu.wait_indirect_dma semaphore(%arg23 : memref<!tpu.dma_semaphore, #tpu.memory_space<semaphore_mem>>) src(%arg16 : memref<125x64xf32, #tpu.memory_space<vmem>>) dst(%dma_wait3A_191 : memref<10240x64xf32, #tpu.memory_space<vmem_shared>>)
      } else {
      }
      %dma_start3A_173 = arith.constant 0 : i32
      %dma_start3A_174 = tpu.memref_slice %arg11[%add3A_161, %dma_start3A_173] : memref<80x125xi32, #tpu.memory_space<vmem>> -> memref<1x125xi32, #tpu.memory_space<vmem>>
      %dma_start3A_175 = tpu.memref_squeeze %dma_start3A_174 : memref<1x125xi32, #tpu.memory_space<vmem>> -> memref<125xi32, #tpu.memory_space<vmem>>
      %dma_start3A_176 = arith.constant 0 : i32
      %dma_start3A_177 = arith.constant 0 : i32
      %dma_start3A_178 = tpu.memref_slice %arg18[%dma_start3A_176, %dma_start3A_177] : memref<10240x64xf32, #tpu.memory_space<vmem_shared>> -> memref<10240x64xf32, #tpu.memory_space<vmem_shared>>
      tpu.enqueue_indirect_dma source(%arg16 : memref<125x64xf32, #tpu.memory_space<vmem>>) target(%dma_start3A_178 : memref<10240x64xf32, #tpu.memory_space<vmem_shared>>) offsets(%dma_start3A_175 : memref<125xi32, #tpu.memory_space<vmem>>) semaphore(%arg23 : memref<!tpu.dma_semaphore, #tpu.memory_space<semaphore_mem>>) {add = true}
      %add3A_179 = arith.constant 2 : i32
      %add3A_180 = arith.addi %add3A_161, %add3A_179 : i32
      %lt3A_181 = arith.constant 80 : i32
      %lt3A_182 = arith.cmpi slt, %add3A_180, %lt3A_181 : i32
      %convert_element_type3A_183 = arith.extui %lt3A_182 : i1 to i32
      %cond3A_184 = arith.constant 0 : i32
      %cond3A_185 = arith.cmpi ne, %convert_element_type3A_183, %cond3A_184 : i32
      scf.if %cond3A_185 {
        %add3A_186 = arith.constant 2 : i32
        %add3A_187 = arith.addi %add3A_161, %add3A_186 : i32
        %dma_start3A_188 = arith.constant 0 : i32
        %dma_start3A_189 = tpu.memref_slice %arg10[%add3A_187, %dma_start3A_188] : memref<80x125xi32, #tpu.memory_space<vmem>> -> memref<1x125xi32, #tpu.memory_space<vmem>>
        %dma_start3A_190 = tpu.memref_squeeze %dma_start3A_189 : memref<1x125xi32, #tpu.memory_space<vmem>> -> memref<125xi32, #tpu.memory_space<vmem>>
        %dma_start3A_191 = arith.constant 0 : i32
        %dma_start3A_192 = arith.constant 0 : i32
        %dma_start3A_193 = tpu.memref_slice %arg3[%dma_start3A_191, %dma_start3A_192] : memref<10000x64xf32, #tpu.memory_space<hbm>> -> memref<10000x64xf32, #tpu.memory_space<hbm>>
        tpu.enqueue_indirect_dma source(%dma_start3A_193 : memref<10000x64xf32, #tpu.memory_space<hbm>>) target(%arg14 : memref<125x64xf32, #tpu.memory_space<vmem>>) offsets(%dma_start3A_190 : memref<125xi32, #tpu.memory_space<vmem>>) semaphore(%arg20 : memref<!tpu.dma_semaphore, #tpu.memory_space<semaphore_mem>>)
      } else {
      }
    }
    %scan3A_64 = arith.constant 20 : i32
    %dma_wait3A_65 = arith.constant 0 : i32
    %dma_wait3A_66 = arith.constant 0 : i32
    %dma_wait3A_67 = tpu.memref_slice %arg11[%dma_wait3A_65, %dma_wait3A_66] : memref<80x125xi32, #tpu.memory_space<vmem>> -> memref<1x125xi32, #tpu.memory_space<vmem>>
    %dma_wait3A_68 = tpu.memref_squeeze %dma_wait3A_67 : memref<1x125xi32, #tpu.memory_space<vmem>> -> memref<125xi32, #tpu.memory_space<vmem>>
    %dma_wait3A_69 = arith.constant 0 : i32
    %dma_wait3A_70 = arith.constant 0 : i32
    %dma_wait3A_71 = tpu.memref_slice %arg18[%dma_wait3A_69, %dma_wait3A_70] : memref<10240x64xf32, #tpu.memory_space<vmem_shared>> -> memref<10240x64xf32, #tpu.memory_space<vmem_shared>>
    tpu.wait_indirect_dma semaphore(%arg23 : memref<!tpu.dma_semaphore, #tpu.memory_space<semaphore_mem>>) src(%arg16 : memref<125x64xf32, #tpu.memory_space<vmem>>) dst(%dma_wait3A_71 : memref<10240x64xf32, #tpu.memory_space<vmem_shared>>)
    %barrier3A_72 = arith.constant 0 : index
    tpu.barrier barrier_id(%barrier3A_72)
    %mul3A_73 = arith.constant 640 : i32
    %mul3A_74 = arith.muli %arg1, %mul3A_73 : i32
    %mul3A_75 = arith.constant 640 : i32
    %mul3A_76 = arith.muli %arg1, %mul3A_75 : i32
    "tpu.region"() ({
      %run_scoped3A = tpu.sem_alloc : memref<!tpu.dma_semaphore, #tpu.memory_space<semaphore_mem>>
      %dma_start3A_77 = arith.constant 0 : i32
      %dma_start3A_78 = tpu.memref_slice %arg9[%arg0, %mul3A_76, %dma_start3A_77] : memref<2x10240x64xf32, #tpu.memory_space<hbm>> -> memref<1x640x64xf32, #tpu.memory_space<hbm>>
      %dma_start3A_79 = tpu.memref_squeeze %dma_start3A_78 : memref<1x640x64xf32, #tpu.memory_space<hbm>> -> memref<640x64xf32, #tpu.memory_space<hbm>>
      %dma_start3A_80 = arith.constant 0 : i32
      %dma_start3A_81 = tpu.memref_slice %arg18[%mul3A_74, %dma_start3A_80] : memref<10240x64xf32, #tpu.memory_space<vmem_shared>> -> memref<640x64xf32, #tpu.memory_space<vmem_shared>>
      tpu.enqueue_dma source(%dma_start3A_81 : memref<640x64xf32, #tpu.memory_space<vmem_shared>>) target(%dma_start3A_79 : memref<640x64xf32, #tpu.memory_space<hbm>>) target_semaphore(%run_scoped3A : memref<!tpu.dma_semaphore, #tpu.memory_space<semaphore_mem>>)
      %dma_wait3A_82 = arith.constant 0 : i32
      %dma_wait3A_83 = tpu.memref_slice %arg9[%arg0, %mul3A_76, %dma_wait3A_82] : memref<2x10240x64xf32, #tpu.memory_space<hbm>> -> memref<1x640x64xf32, #tpu.memory_space<hbm>>
      %dma_wait3A_84 = tpu.memref_squeeze %dma_wait3A_83 : memref<1x640x64xf32, #tpu.memory_space<hbm>> -> memref<640x64xf32, #tpu.memory_space<hbm>>
      %dma_wait3A_85 = arith.constant 0 : i32
      %dma_wait3A_86 = tpu.memref_slice %arg18[%mul3A_74, %dma_wait3A_85] : memref<10240x64xf32, #tpu.memory_space<vmem_shared>> -> memref<640x64xf32, #tpu.memory_space<vmem_shared>>
      tpu.wait_dma2 semaphore(%run_scoped3A : memref<!tpu.dma_semaphore, #tpu.memory_space<semaphore_mem>>) src(%dma_wait3A_86 : memref<640x64xf32, #tpu.memory_space<vmem_shared>>) dst(%dma_wait3A_84 : memref<640x64xf32, #tpu.memory_space<hbm>>)
      tpu.yield
    }) : () -> ()
    return
  }
}

#map = affine_map<(d0, d1) -> (0, 0)>
#map1 = affine_map<(d0, d1) -> (0)>
module attributes {stable_mosaic.version = 14 : i64} {
  func.func @_deg_kernel(%arg0: i32, %arg1: i32, %arg2: memref<2560x125xi32, #tpu.memory_space<hbm>>, %arg3: memref<125xf32, #tpu.memory_space<hbm>>, %arg4: memref<10240xf32, #tpu.memory_space<hbm>>, %arg5: memref<2x10240xf32, #tpu.memory_space<hbm>>, %arg6: memref<80x125xi32, #tpu.memory_space<vmem>>, %arg7: memref<125xf32, #tpu.memory_space<vmem>>, %arg8: memref<10240xf32, #tpu.memory_space<vmem_shared>>) attributes {dimension_semantics = [#tpu.dimension_semantics<core_parallel>, #tpu.dimension_semantics<subcore_parallel>], iteration_bounds = array<i64: 2, 16>, scalar_prefetch = 0 : i64, scratch_operands = 3 : i64, tpu.core_type = #tpu.core_type<sc_vector_subcore>, window_params = [{transform_indices = #map}, {transform_indices = #map1}, {transform_indices = #map1}, {transform_indices = #map}]} {
    %mul3A = arith.constant 16 : i32
    %mul3A_0 = arith.muli %arg0, %mul3A : i32
    %add3A = arith.addi %mul3A_0, %arg1 : i32
    %mul3A_1 = arith.constant 80 : i32
    %mul3A_2 = arith.muli %add3A, %mul3A_1 : i32
    "tpu.region"() ({
      %run_scoped3A = tpu.sem_alloc : memref<!tpu.dma_semaphore, #tpu.memory_space<semaphore_mem>>
      %dma_start3A = arith.constant 0 : i32
      %dma_start3A_17 = tpu.memref_slice %arg2[%mul3A_2, %dma_start3A] : memref<2560x125xi32, #tpu.memory_space<hbm>> -> memref<80x125xi32, #tpu.memory_space<hbm>>
      %dma_start3A_18 = arith.constant 0 : i32
      %dma_start3A_19 = tpu.memref_slice %arg2[%mul3A_2, %dma_start3A_18] : memref<2560x125xi32, #tpu.memory_space<hbm>> -> memref<80x125xi32, #tpu.memory_space<hbm>>
      tpu.enqueue_dma source(%dma_start3A_19 : memref<80x125xi32, #tpu.memory_space<hbm>>) target(%arg6 : memref<80x125xi32, #tpu.memory_space<vmem>>) target_semaphore(%run_scoped3A : memref<!tpu.dma_semaphore, #tpu.memory_space<semaphore_mem>>)
      %dma_wait3A = arith.constant 0 : i32
      %dma_wait3A_20 = tpu.memref_slice %arg2[%mul3A_2, %dma_wait3A] : memref<2560x125xi32, #tpu.memory_space<hbm>> -> memref<80x125xi32, #tpu.memory_space<hbm>>
      %dma_wait3A_21 = arith.constant 0 : i32
      %dma_wait3A_22 = tpu.memref_slice %arg2[%mul3A_2, %dma_wait3A_21] : memref<2560x125xi32, #tpu.memory_space<hbm>> -> memref<80x125xi32, #tpu.memory_space<hbm>>
      tpu.wait_dma2 semaphore(%run_scoped3A : memref<!tpu.dma_semaphore, #tpu.memory_space<semaphore_mem>>) src(%dma_wait3A_22 : memref<80x125xi32, #tpu.memory_space<hbm>>) dst(%arg6 : memref<80x125xi32, #tpu.memory_space<vmem>>)
      tpu.yield
    }) : () -> ()
    "tpu.region"() ({
      %run_scoped3A = tpu.sem_alloc : memref<!tpu.dma_semaphore, #tpu.memory_space<semaphore_mem>>
      tpu.enqueue_dma source(%arg3 : memref<125xf32, #tpu.memory_space<hbm>>) target(%arg7 : memref<125xf32, #tpu.memory_space<vmem>>) target_semaphore(%run_scoped3A : memref<!tpu.dma_semaphore, #tpu.memory_space<semaphore_mem>>)
      tpu.wait_dma2 semaphore(%run_scoped3A : memref<!tpu.dma_semaphore, #tpu.memory_space<semaphore_mem>>) src(%arg3 : memref<125xf32, #tpu.memory_space<hbm>>) dst(%arg7 : memref<125xf32, #tpu.memory_space<vmem>>)
      tpu.yield
    }) : () -> ()
    %mul3A_3 = arith.constant 640 : i32
    %mul3A_4 = arith.muli %arg1, %mul3A_3 : i32
    %mul3A_5 = arith.constant 640 : i32
    %mul3A_6 = arith.muli %arg1, %mul3A_5 : i32
    "tpu.region"() ({
      %run_scoped3A = tpu.sem_alloc : memref<!tpu.dma_semaphore, #tpu.memory_space<semaphore_mem>>
      %dma_start3A = tpu.memref_slice %arg8[%mul3A_6] : memref<10240xf32, #tpu.memory_space<vmem_shared>> -> memref<640xf32, #tpu.memory_space<vmem_shared>>
      %dma_start3A_17 = tpu.memref_slice %arg4[%mul3A_4] : memref<10240xf32, #tpu.memory_space<hbm>> -> memref<640xf32, #tpu.memory_space<hbm>>
      tpu.enqueue_dma source(%dma_start3A_17 : memref<640xf32, #tpu.memory_space<hbm>>) target(%dma_start3A : memref<640xf32, #tpu.memory_space<vmem_shared>>) target_semaphore(%run_scoped3A : memref<!tpu.dma_semaphore, #tpu.memory_space<semaphore_mem>>)
      %dma_wait3A = tpu.memref_slice %arg8[%mul3A_6] : memref<10240xf32, #tpu.memory_space<vmem_shared>> -> memref<640xf32, #tpu.memory_space<vmem_shared>>
      %dma_wait3A_18 = tpu.memref_slice %arg4[%mul3A_4] : memref<10240xf32, #tpu.memory_space<hbm>> -> memref<640xf32, #tpu.memory_space<hbm>>
      tpu.wait_dma2 semaphore(%run_scoped3A : memref<!tpu.dma_semaphore, #tpu.memory_space<semaphore_mem>>) src(%dma_wait3A_18 : memref<640xf32, #tpu.memory_space<hbm>>) dst(%dma_wait3A : memref<640xf32, #tpu.memory_space<vmem_shared>>)
      tpu.yield
    }) : () -> ()
    %barrier3A = arith.constant 0 : index
    tpu.barrier barrier_id(%barrier3A)
    %scan3A = arith.constant 0 : i32
    %scan3A_7 = arith.constant 0 : i32
    %scan3A_8 = arith.constant 80 : i32
    %scan3A_9 = arith.addi %scan3A_7, %scan3A_8 : i32
    %scan3A_10 = arith.constant 1 : i32
    scf.for %scan3A_17 = %scan3A_7 to %scan3A_9 step %scan3A_10  : i32 {
      "tpu.region"() ({
        %run_scoped3A = tpu.sem_alloc : memref<!tpu.dma_semaphore, #tpu.memory_space<semaphore_mem>>
        %dma_start3A = arith.constant 0 : i32
        %dma_start3A_18 = tpu.memref_slice %arg6[%scan3A_17, %dma_start3A] : memref<80x125xi32, #tpu.memory_space<vmem>> -> memref<1x125xi32, #tpu.memory_space<vmem>>
        %dma_start3A_19 = tpu.memref_squeeze %dma_start3A_18 : memref<1x125xi32, #tpu.memory_space<vmem>> -> memref<125xi32, #tpu.memory_space<vmem>>
        %dma_start3A_20 = arith.constant 0 : i32
        %dma_start3A_21 = tpu.memref_slice %arg8[%dma_start3A_20] : memref<10240xf32, #tpu.memory_space<vmem_shared>> -> memref<10240xf32, #tpu.memory_space<vmem_shared>>
        tpu.enqueue_indirect_dma source(%arg7 : memref<125xf32, #tpu.memory_space<vmem>>) target(%dma_start3A_21 : memref<10240xf32, #tpu.memory_space<vmem_shared>>) offsets(%dma_start3A_19 : memref<125xi32, #tpu.memory_space<vmem>>) semaphore(%run_scoped3A : memref<!tpu.dma_semaphore, #tpu.memory_space<semaphore_mem>>) {add = true}
        %dma_wait3A = arith.constant 0 : i32
        %dma_wait3A_22 = tpu.memref_slice %arg6[%scan3A_17, %dma_wait3A] : memref<80x125xi32, #tpu.memory_space<vmem>> -> memref<1x125xi32, #tpu.memory_space<vmem>>
        %dma_wait3A_23 = tpu.memref_squeeze %dma_wait3A_22 : memref<1x125xi32, #tpu.memory_space<vmem>> -> memref<125xi32, #tpu.memory_space<vmem>>
        %dma_wait3A_24 = arith.constant 0 : i32
        %dma_wait3A_25 = tpu.memref_slice %arg8[%dma_wait3A_24] : memref<10240xf32, #tpu.memory_space<vmem_shared>> -> memref<10240xf32, #tpu.memory_space<vmem_shared>>
        tpu.wait_indirect_dma semaphore(%run_scoped3A : memref<!tpu.dma_semaphore, #tpu.memory_space<semaphore_mem>>) src(%arg7 : memref<125xf32, #tpu.memory_space<vmem>>) dst(%dma_wait3A_25 : memref<10240xf32, #tpu.memory_space<vmem_shared>>)
        tpu.yield
      }) : () -> ()
    }
    %scan3A_11 = arith.constant 80 : i32
    %barrier3A_12 = arith.constant 0 : index
    tpu.barrier barrier_id(%barrier3A_12)
    %mul3A_13 = arith.constant 640 : i32
    %mul3A_14 = arith.muli %arg1, %mul3A_13 : i32
    %mul3A_15 = arith.constant 640 : i32
    %mul3A_16 = arith.muli %arg1, %mul3A_15 : i32
    "tpu.region"() ({
      %run_scoped3A = tpu.sem_alloc : memref<!tpu.dma_semaphore, #tpu.memory_space<semaphore_mem>>
      %dma_start3A = tpu.memref_slice %arg5[%arg0, %mul3A_16] : memref<2x10240xf32, #tpu.memory_space<hbm>> -> memref<1x640xf32, #tpu.memory_space<hbm>>
      %dma_start3A_17 = tpu.memref_squeeze %dma_start3A : memref<1x640xf32, #tpu.memory_space<hbm>> -> memref<640xf32, #tpu.memory_space<hbm>>
      %dma_start3A_18 = tpu.memref_slice %arg8[%mul3A_14] : memref<10240xf32, #tpu.memory_space<vmem_shared>> -> memref<640xf32, #tpu.memory_space<vmem_shared>>
      tpu.enqueue_dma source(%dma_start3A_18 : memref<640xf32, #tpu.memory_space<vmem_shared>>) target(%dma_start3A_17 : memref<640xf32, #tpu.memory_space<hbm>>) target_semaphore(%run_scoped3A : memref<!tpu.dma_semaphore, #tpu.memory_space<semaphore_mem>>)
      %dma_wait3A = tpu.memref_slice %arg5[%arg0, %mul3A_16] : memref<2x10240xf32, #tpu.memory_space<hbm>> -> memref<1x640xf32, #tpu.memory_space<hbm>>
      %dma_wait3A_19 = tpu.memref_squeeze %dma_wait3A : memref<1x640xf32, #tpu.memory_space<hbm>> -> memref<640xf32, #tpu.memory_space<hbm>>
      %dma_wait3A_20 = tpu.memref_slice %arg8[%mul3A_14] : memref<10240xf32, #tpu.memory_space<vmem_shared>> -> memref<640xf32, #tpu.memory_space<vmem_shared>>
      tpu.wait_dma2 semaphore(%run_scoped3A : memref<!tpu.dma_semaphore, #tpu.memory_space<semaphore_mem>>) src(%dma_wait3A_20 : memref<640xf32, #tpu.memory_space<vmem_shared>>) dst(%dma_wait3A_19 : memref<640xf32, #tpu.memory_space<hbm>>)
      tpu.yield
    }) : () -> ()
    return
  }
}

#map = affine_map<(d0, d1) -> (0, 0)>
#map1 = affine_map<(d0, d1) -> (0, 0, 0)>
module attributes {stable_mosaic.version = 14 : i64} {
  func.func @_scatter(%arg0: i32, %arg1: i32, %arg2: memref<10000x40xf32, #tpu.memory_space<hbm>>, %arg3: memref<2560x125xi32, #tpu.memory_space<hbm>>, %arg4: memref<2560x125xi32, #tpu.memory_space<hbm>>, %arg5: memref<10240x40xf32, #tpu.memory_space<hbm>>, %arg6: memref<80x128xi32, #tpu.memory_space<hbm>>, %arg7: memref<2x10240x40xf32, #tpu.memory_space<hbm>>, %arg8: memref<80x125xi32, #tpu.memory_space<vmem>>, %arg9: memref<80x125xi32, #tpu.memory_space<vmem>>, %arg10: memref<5x128xi32, #tpu.memory_space<vmem>>, %arg11: memref<125x40xf32, #tpu.memory_space<vmem>>, %arg12: memref<125x40xf32, #tpu.memory_space<vmem>>, %arg13: memref<125x40xf32, #tpu.memory_space<vmem>>, %arg14: memref<125x40xf32, #tpu.memory_space<vmem>>, %arg15: memref<128x40xf32, #tpu.memory_space<vmem>>, %arg16: memref<10240x40xf32, #tpu.memory_space<vmem_shared>>, %arg17: memref<!tpu.dma_semaphore, #tpu.memory_space<semaphore_mem>>, %arg18: memref<!tpu.dma_semaphore, #tpu.memory_space<semaphore_mem>>, %arg19: memref<!tpu.dma_semaphore, #tpu.memory_space<semaphore_mem>>, %arg20: memref<!tpu.dma_semaphore, #tpu.memory_space<semaphore_mem>>, %arg21: memref<!tpu.dma_semaphore, #tpu.memory_space<semaphore_mem>>) attributes {dimension_semantics = [#tpu.dimension_semantics<core_parallel>, #tpu.dimension_semantics<subcore_parallel>], iteration_bounds = array<i64: 2, 16>, scalar_prefetch = 0 : i64, scratch_operands = 14 : i64, tpu.core_type = #tpu.core_type<sc_vector_subcore>, window_params = [{transform_indices = #map}, {transform_indices = #map}, {transform_indices = #map}, {transform_indices = #map}, {transform_indices = #map}, {transform_indices = #map1}]} {
    %mul3A = arith.constant 16 : i32
    %mul3A_0 = arith.muli %arg0, %mul3A : i32
    %add3A = arith.addi %mul3A_0, %arg1 : i32
    %mul3A_1 = arith.constant 80 : i32
    %mul3A_2 = arith.muli %add3A, %mul3A_1 : i32
    "tpu.region"() ({
      %run_scoped3A = tpu.sem_alloc : memref<!tpu.dma_semaphore, #tpu.memory_space<semaphore_mem>>
      %dma_start3A_40 = arith.constant 0 : i32
      %dma_start3A_41 = tpu.memref_slice %arg3[%mul3A_2, %dma_start3A_40] : memref<2560x125xi32, #tpu.memory_space<hbm>> -> memref<80x125xi32, #tpu.memory_space<hbm>>
      %dma_start3A_42 = arith.constant 0 : i32
      %dma_start3A_43 = tpu.memref_slice %arg3[%mul3A_2, %dma_start3A_42] : memref<2560x125xi32, #tpu.memory_space<hbm>> -> memref<80x125xi32, #tpu.memory_space<hbm>>
      tpu.enqueue_dma source(%dma_start3A_43 : memref<80x125xi32, #tpu.memory_space<hbm>>) target(%arg8 : memref<80x125xi32, #tpu.memory_space<vmem>>) target_semaphore(%run_scoped3A : memref<!tpu.dma_semaphore, #tpu.memory_space<semaphore_mem>>)
      %dma_wait3A_44 = arith.constant 0 : i32
      %dma_wait3A_45 = tpu.memref_slice %arg3[%mul3A_2, %dma_wait3A_44] : memref<2560x125xi32, #tpu.memory_space<hbm>> -> memref<80x125xi32, #tpu.memory_space<hbm>>
      %dma_wait3A_46 = arith.constant 0 : i32
      %dma_wait3A_47 = tpu.memref_slice %arg3[%mul3A_2, %dma_wait3A_46] : memref<2560x125xi32, #tpu.memory_space<hbm>> -> memref<80x125xi32, #tpu.memory_space<hbm>>
      tpu.wait_dma2 semaphore(%run_scoped3A : memref<!tpu.dma_semaphore, #tpu.memory_space<semaphore_mem>>) src(%dma_wait3A_47 : memref<80x125xi32, #tpu.memory_space<hbm>>) dst(%arg8 : memref<80x125xi32, #tpu.memory_space<vmem>>)
      tpu.yield
    }) : () -> ()
    %mul3A_3 = arith.constant 80 : i32
    %mul3A_4 = arith.muli %add3A, %mul3A_3 : i32
    "tpu.region"() ({
      %run_scoped3A = tpu.sem_alloc : memref<!tpu.dma_semaphore, #tpu.memory_space<semaphore_mem>>
      %dma_start3A_40 = arith.constant 0 : i32
      %dma_start3A_41 = tpu.memref_slice %arg4[%mul3A_4, %dma_start3A_40] : memref<2560x125xi32, #tpu.memory_space<hbm>> -> memref<80x125xi32, #tpu.memory_space<hbm>>
      %dma_start3A_42 = arith.constant 0 : i32
      %dma_start3A_43 = tpu.memref_slice %arg4[%mul3A_4, %dma_start3A_42] : memref<2560x125xi32, #tpu.memory_space<hbm>> -> memref<80x125xi32, #tpu.memory_space<hbm>>
      tpu.enqueue_dma source(%dma_start3A_43 : memref<80x125xi32, #tpu.memory_space<hbm>>) target(%arg9 : memref<80x125xi32, #tpu.memory_space<vmem>>) target_semaphore(%run_scoped3A : memref<!tpu.dma_semaphore, #tpu.memory_space<semaphore_mem>>)
      %dma_wait3A_44 = arith.constant 0 : i32
      %dma_wait3A_45 = tpu.memref_slice %arg4[%mul3A_4, %dma_wait3A_44] : memref<2560x125xi32, #tpu.memory_space<hbm>> -> memref<80x125xi32, #tpu.memory_space<hbm>>
      %dma_wait3A_46 = arith.constant 0 : i32
      %dma_wait3A_47 = tpu.memref_slice %arg4[%mul3A_4, %dma_wait3A_46] : memref<2560x125xi32, #tpu.memory_space<hbm>> -> memref<80x125xi32, #tpu.memory_space<hbm>>
      tpu.wait_dma2 semaphore(%run_scoped3A : memref<!tpu.dma_semaphore, #tpu.memory_space<semaphore_mem>>) src(%dma_wait3A_47 : memref<80x125xi32, #tpu.memory_space<hbm>>) dst(%arg9 : memref<80x125xi32, #tpu.memory_space<vmem>>)
      tpu.yield
    }) : () -> ()
    %mul3A_5 = arith.constant 5 : i32
    %mul3A_6 = arith.muli %arg1, %mul3A_5 : i32
    "tpu.region"() ({
      %run_scoped3A = tpu.sem_alloc : memref<!tpu.dma_semaphore, #tpu.memory_space<semaphore_mem>>
      %dma_start3A_40 = arith.constant 0 : i32
      %dma_start3A_41 = tpu.memref_slice %arg6[%mul3A_6, %dma_start3A_40] : memref<80x128xi32, #tpu.memory_space<hbm>> -> memref<5x128xi32, #tpu.memory_space<hbm>>
      %dma_start3A_42 = arith.constant 0 : i32
      %dma_start3A_43 = tpu.memref_slice %arg6[%mul3A_6, %dma_start3A_42] : memref<80x128xi32, #tpu.memory_space<hbm>> -> memref<5x128xi32, #tpu.memory_space<hbm>>
      tpu.enqueue_dma source(%dma_start3A_43 : memref<5x128xi32, #tpu.memory_space<hbm>>) target(%arg10 : memref<5x128xi32, #tpu.memory_space<vmem>>) target_semaphore(%run_scoped3A : memref<!tpu.dma_semaphore, #tpu.memory_space<semaphore_mem>>)
      %dma_wait3A_44 = arith.constant 0 : i32
      %dma_wait3A_45 = tpu.memref_slice %arg6[%mul3A_6, %dma_wait3A_44] : memref<80x128xi32, #tpu.memory_space<hbm>> -> memref<5x128xi32, #tpu.memory_space<hbm>>
      %dma_wait3A_46 = arith.constant 0 : i32
      %dma_wait3A_47 = tpu.memref_slice %arg6[%mul3A_6, %dma_wait3A_46] : memref<80x128xi32, #tpu.memory_space<hbm>> -> memref<5x128xi32, #tpu.memory_space<hbm>>
      tpu.wait_dma2 semaphore(%run_scoped3A : memref<!tpu.dma_semaphore, #tpu.memory_space<semaphore_mem>>) src(%dma_wait3A_47 : memref<5x128xi32, #tpu.memory_space<hbm>>) dst(%arg10 : memref<5x128xi32, #tpu.memory_space<vmem>>)
      tpu.yield
    }) : () -> ()
    %mul3A_7 = arith.constant 640 : i32
    %mul3A_8 = arith.muli %arg1, %mul3A_7 : i32
    %mul3A_9 = arith.constant 640 : i32
    %mul3A_10 = arith.muli %arg1, %mul3A_9 : i32
    "tpu.region"() ({
      %run_scoped3A = tpu.sem_alloc : memref<!tpu.dma_semaphore, #tpu.memory_space<semaphore_mem>>
      %dma_start3A_40 = arith.constant 0 : i32
      %dma_start3A_41 = tpu.memref_slice %arg16[%mul3A_10, %dma_start3A_40] : memref<10240x40xf32, #tpu.memory_space<vmem_shared>> -> memref<640x40xf32, #tpu.memory_space<vmem_shared>>
      %dma_start3A_42 = arith.constant 0 : i32
      %dma_start3A_43 = tpu.memref_slice %arg5[%mul3A_8, %dma_start3A_42] : memref<10240x40xf32, #tpu.memory_space<hbm>> -> memref<640x40xf32, #tpu.memory_space<hbm>>
      tpu.enqueue_dma source(%dma_start3A_43 : memref<640x40xf32, #tpu.memory_space<hbm>>) target(%dma_start3A_41 : memref<640x40xf32, #tpu.memory_space<vmem_shared>>) target_semaphore(%run_scoped3A : memref<!tpu.dma_semaphore, #tpu.memory_space<semaphore_mem>>)
      %dma_wait3A_44 = arith.constant 0 : i32
      %dma_wait3A_45 = tpu.memref_slice %arg16[%mul3A_10, %dma_wait3A_44] : memref<10240x40xf32, #tpu.memory_space<vmem_shared>> -> memref<640x40xf32, #tpu.memory_space<vmem_shared>>
      %dma_wait3A_46 = arith.constant 0 : i32
      %dma_wait3A_47 = tpu.memref_slice %arg5[%mul3A_8, %dma_wait3A_46] : memref<10240x40xf32, #tpu.memory_space<hbm>> -> memref<640x40xf32, #tpu.memory_space<hbm>>
      tpu.wait_dma2 semaphore(%run_scoped3A : memref<!tpu.dma_semaphore, #tpu.memory_space<semaphore_mem>>) src(%dma_wait3A_47 : memref<640x40xf32, #tpu.memory_space<hbm>>) dst(%dma_wait3A_45 : memref<640x40xf32, #tpu.memory_space<vmem_shared>>)
      tpu.yield
    }) : () -> ()
    %barrier3A = arith.constant 0 : index
    tpu.barrier barrier_id(%barrier3A)
    %dma_start3A = arith.constant 0 : i32
    %dma_start3A_11 = arith.constant 0 : i32
    %dma_start3A_12 = tpu.memref_slice %arg8[%dma_start3A, %dma_start3A_11] : memref<80x125xi32, #tpu.memory_space<vmem>> -> memref<1x125xi32, #tpu.memory_space<vmem>>
    %dma_start3A_13 = tpu.memref_squeeze %dma_start3A_12 : memref<1x125xi32, #tpu.memory_space<vmem>> -> memref<125xi32, #tpu.memory_space<vmem>>
    %dma_start3A_14 = arith.constant 0 : i32
    %dma_start3A_15 = arith.constant 0 : i32
    %dma_start3A_16 = tpu.memref_slice %arg2[%dma_start3A_14, %dma_start3A_15] : memref<10000x40xf32, #tpu.memory_space<hbm>> -> memref<10000x40xf32, #tpu.memory_space<hbm>>
    tpu.enqueue_indirect_dma source(%dma_start3A_16 : memref<10000x40xf32, #tpu.memory_space<hbm>>) target(%arg11 : memref<125x40xf32, #tpu.memory_space<vmem>>) offsets(%dma_start3A_13 : memref<125xi32, #tpu.memory_space<vmem>>) semaphore(%arg17 : memref<!tpu.dma_semaphore, #tpu.memory_space<semaphore_mem>>)
    %dma_start3A_17 = arith.constant 1 : i32
    %dma_start3A_18 = arith.constant 0 : i32
    %dma_start3A_19 = tpu.memref_slice %arg8[%dma_start3A_17, %dma_start3A_18] : memref<80x125xi32, #tpu.memory_space<vmem>> -> memref<1x125xi32, #tpu.memory_space<vmem>>
    %dma_start3A_20 = tpu.memref_squeeze %dma_start3A_19 : memref<1x125xi32, #tpu.memory_space<vmem>> -> memref<125xi32, #tpu.memory_space<vmem>>
    %dma_start3A_21 = arith.constant 0 : i32
    %dma_start3A_22 = arith.constant 0 : i32
    %dma_start3A_23 = tpu.memref_slice %arg2[%dma_start3A_21, %dma_start3A_22] : memref<10000x40xf32, #tpu.memory_space<hbm>> -> memref<10000x40xf32, #tpu.memory_space<hbm>>
    tpu.enqueue_indirect_dma source(%dma_start3A_23 : memref<10000x40xf32, #tpu.memory_space<hbm>>) target(%arg12 : memref<125x40xf32, #tpu.memory_space<vmem>>) offsets(%dma_start3A_20 : memref<125xi32, #tpu.memory_space<vmem>>) semaphore(%arg18 : memref<!tpu.dma_semaphore, #tpu.memory_space<semaphore_mem>>)
    %scan3A = arith.constant 0 : i32
    %scan3A_24 = arith.constant 0 : i32
    %scan3A_25 = arith.constant 20 : i32
    %scan3A_26 = arith.addi %scan3A_24, %scan3A_25 : i32
    %scan3A_27 = arith.constant 1 : i32
    scf.for %scan3A_40 = %scan3A_24 to %scan3A_26 step %scan3A_27  : i32 {
      %mul3A_41 = arith.constant 4 : i32
      %mul3A_42 = arith.muli %mul3A_41, %scan3A_40 : i32
      %add3A_43 = arith.constant 0 : i32
      %add3A_44 = arith.addi %mul3A_42, %add3A_43 : i32
      %dma_wait3A_45 = arith.constant 0 : i32
      %dma_wait3A_46 = tpu.memref_slice %arg8[%add3A_44, %dma_wait3A_45] : memref<80x125xi32, #tpu.memory_space<vmem>> -> memref<1x125xi32, #tpu.memory_space<vmem>>
      %dma_wait3A_47 = tpu.memref_squeeze %dma_wait3A_46 : memref<1x125xi32, #tpu.memory_space<vmem>> -> memref<125xi32, #tpu.memory_space<vmem>>
      %dma_wait3A_48 = arith.constant 0 : i32
      %dma_wait3A_49 = arith.constant 0 : i32
      %dma_wait3A_50 = tpu.memref_slice %arg2[%dma_wait3A_48, %dma_wait3A_49] : memref<10000x40xf32, #tpu.memory_space<hbm>> -> memref<10000x40xf32, #tpu.memory_space<hbm>>
      tpu.wait_indirect_dma semaphore(%arg17 : memref<!tpu.dma_semaphore, #tpu.memory_space<semaphore_mem>>) src(%dma_wait3A_50 : memref<10000x40xf32, #tpu.memory_space<hbm>>) dst(%arg11 : memref<125x40xf32, #tpu.memory_space<vmem>>)
      %ge3A = arith.constant 1 : i32
      %ge3A_51 = arith.cmpi sge, %add3A_44, %ge3A : i32
      %convert_element_type3A = arith.extui %ge3A_51 : i1 to i32
      %cond3A = arith.constant 0 : i32
      %cond3A_52 = arith.cmpi ne, %convert_element_type3A, %cond3A : i32
      scf.if %cond3A_52 {
        %dma_wait3A_149 = arith.constant 0 : i32
        %dma_wait3A_150 = tpu.memref_slice %arg9[%add3A_44, %dma_wait3A_149] : memref<80x125xi32, #tpu.memory_space<vmem>> -> memref<1x125xi32, #tpu.memory_space<vmem>>
        %dma_wait3A_151 = tpu.memref_squeeze %dma_wait3A_150 : memref<1x125xi32, #tpu.memory_space<vmem>> -> memref<125xi32, #tpu.memory_space<vmem>>
        %dma_wait3A_152 = arith.constant 0 : i32
        %dma_wait3A_153 = arith.constant 0 : i32
        %dma_wait3A_154 = tpu.memref_slice %arg16[%dma_wait3A_152, %dma_wait3A_153] : memref<10240x40xf32, #tpu.memory_space<vmem_shared>> -> memref<10240x40xf32, #tpu.memory_space<vmem_shared>>
        tpu.wait_indirect_dma semaphore(%arg21 : memref<!tpu.dma_semaphore, #tpu.memory_space<semaphore_mem>>) src(%arg11 : memref<125x40xf32, #tpu.memory_space<vmem>>) dst(%dma_wait3A_154 : memref<10240x40xf32, #tpu.memory_space<vmem_shared>>)
      } else {
      }
      %dma_start3A_53 = arith.constant 0 : i32
      %dma_start3A_54 = tpu.memref_slice %arg9[%add3A_44, %dma_start3A_53] : memref<80x125xi32, #tpu.memory_space<vmem>> -> memref<1x125xi32, #tpu.memory_space<vmem>>
      %dma_start3A_55 = tpu.memref_squeeze %dma_start3A_54 : memref<1x125xi32, #tpu.memory_space<vmem>> -> memref<125xi32, #tpu.memory_space<vmem>>
      %dma_start3A_56 = arith.constant 0 : i32
      %dma_start3A_57 = arith.constant 0 : i32
      %dma_start3A_58 = tpu.memref_slice %arg16[%dma_start3A_56, %dma_start3A_57] : memref<10240x40xf32, #tpu.memory_space<vmem_shared>> -> memref<10240x40xf32, #tpu.memory_space<vmem_shared>>
      tpu.enqueue_indirect_dma source(%arg11 : memref<125x40xf32, #tpu.memory_space<vmem>>) target(%dma_start3A_58 : memref<10240x40xf32, #tpu.memory_space<vmem_shared>>) offsets(%dma_start3A_55 : memref<125xi32, #tpu.memory_space<vmem>>) semaphore(%arg21 : memref<!tpu.dma_semaphore, #tpu.memory_space<semaphore_mem>>) {add = true}
      %add3A_59 = arith.constant 2 : i32
      %add3A_60 = arith.addi %add3A_44, %add3A_59 : i32
      %lt3A = arith.constant 80 : i32
      %lt3A_61 = arith.cmpi slt, %add3A_60, %lt3A : i32
      %convert_element_type3A_62 = arith.extui %lt3A_61 : i1 to i32
      %cond3A_63 = arith.constant 0 : i32
      %cond3A_64 = arith.cmpi ne, %convert_element_type3A_62, %cond3A_63 : i32
      scf.if %cond3A_64 {
        %add3A_149 = arith.constant 2 : i32
        %add3A_150 = arith.addi %add3A_44, %add3A_149 : i32
        %dma_start3A_151 = arith.constant 0 : i32
        %dma_start3A_152 = tpu.memref_slice %arg8[%add3A_150, %dma_start3A_151] : memref<80x125xi32, #tpu.memory_space<vmem>> -> memref<1x125xi32, #tpu.memory_space<vmem>>
        %dma_start3A_153 = tpu.memref_squeeze %dma_start3A_152 : memref<1x125xi32, #tpu.memory_space<vmem>> -> memref<125xi32, #tpu.memory_space<vmem>>
        %dma_start3A_154 = arith.constant 0 : i32
        %dma_start3A_155 = arith.constant 0 : i32
        %dma_start3A_156 = tpu.memref_slice %arg2[%dma_start3A_154, %dma_start3A_155] : memref<10000x40xf32, #tpu.memory_space<hbm>> -> memref<10000x40xf32, #tpu.memory_space<hbm>>
        tpu.enqueue_indirect_dma source(%dma_start3A_156 : memref<10000x40xf32, #tpu.memory_space<hbm>>) target(%arg13 : memref<125x40xf32, #tpu.memory_space<vmem>>) offsets(%dma_start3A_153 : memref<125xi32, #tpu.memory_space<vmem>>) semaphore(%arg19 : memref<!tpu.dma_semaphore, #tpu.memory_space<semaphore_mem>>)
      } else {
      }
      %mul3A_65 = arith.constant 4 : i32
      %mul3A_66 = arith.muli %mul3A_65, %scan3A_40 : i32
      %add3A_67 = arith.constant 1 : i32
      %add3A_68 = arith.addi %mul3A_66, %add3A_67 : i32
      %dma_wait3A_69 = arith.constant 0 : i32
      %dma_wait3A_70 = tpu.memref_slice %arg8[%add3A_68, %dma_wait3A_69] : memref<80x125xi32, #tpu.memory_space<vmem>> -> memref<1x125xi32, #tpu.memory_space<vmem>>
      %dma_wait3A_71 = tpu.memref_squeeze %dma_wait3A_70 : memref<1x125xi32, #tpu.memory_space<vmem>> -> memref<125xi32, #tpu.memory_space<vmem>>
      %dma_wait3A_72 = arith.constant 0 : i32
      %dma_wait3A_73 = arith.constant 0 : i32
      %dma_wait3A_74 = tpu.memref_slice %arg2[%dma_wait3A_72, %dma_wait3A_73] : memref<10000x40xf32, #tpu.memory_space<hbm>> -> memref<10000x40xf32, #tpu.memory_space<hbm>>
      tpu.wait_indirect_dma semaphore(%arg18 : memref<!tpu.dma_semaphore, #tpu.memory_space<semaphore_mem>>) src(%dma_wait3A_74 : memref<10000x40xf32, #tpu.memory_space<hbm>>) dst(%arg12 : memref<125x40xf32, #tpu.memory_space<vmem>>)
      %ge3A_75 = arith.constant 1 : i32
      %ge3A_76 = arith.cmpi sge, %add3A_68, %ge3A_75 : i32
      %convert_element_type3A_77 = arith.extui %ge3A_76 : i1 to i32
      %cond3A_78 = arith.constant 0 : i32
      %cond3A_79 = arith.cmpi ne, %convert_element_type3A_77, %cond3A_78 : i32
      scf.if %cond3A_79 {
        %dma_wait3A_149 = arith.constant 0 : i32
        %dma_wait3A_150 = tpu.memref_slice %arg9[%add3A_68, %dma_wait3A_149] : memref<80x125xi32, #tpu.memory_space<vmem>> -> memref<1x125xi32, #tpu.memory_space<vmem>>
        %dma_wait3A_151 = tpu.memref_squeeze %dma_wait3A_150 : memref<1x125xi32, #tpu.memory_space<vmem>> -> memref<125xi32, #tpu.memory_space<vmem>>
        %dma_wait3A_152 = arith.constant 0 : i32
        %dma_wait3A_153 = arith.constant 0 : i32
        %dma_wait3A_154 = tpu.memref_slice %arg16[%dma_wait3A_152, %dma_wait3A_153] : memref<10240x40xf32, #tpu.memory_space<vmem_shared>> -> memref<10240x40xf32, #tpu.memory_space<vmem_shared>>
        tpu.wait_indirect_dma semaphore(%arg21 : memref<!tpu.dma_semaphore, #tpu.memory_space<semaphore_mem>>) src(%arg12 : memref<125x40xf32, #tpu.memory_space<vmem>>) dst(%dma_wait3A_154 : memref<10240x40xf32, #tpu.memory_space<vmem_shared>>)
      } else {
      }
      %dma_start3A_80 = arith.constant 0 : i32
      %dma_start3A_81 = tpu.memref_slice %arg9[%add3A_68, %dma_start3A_80] : memref<80x125xi32, #tpu.memory_space<vmem>> -> memref<1x125xi32, #tpu.memory_space<vmem>>
      %dma_start3A_82 = tpu.memref_squeeze %dma_start3A_81 : memref<1x125xi32, #tpu.memory_space<vmem>> -> memref<125xi32, #tpu.memory_space<vmem>>
      %dma_start3A_83 = arith.constant 0 : i32
      %dma_start3A_84 = arith.constant 0 : i32
      %dma_start3A_85 = tpu.memref_slice %arg16[%dma_start3A_83, %dma_start3A_84] : memref<10240x40xf32, #tpu.memory_space<vmem_shared>> -> memref<10240x40xf32, #tpu.memory_space<vmem_shared>>
      tpu.enqueue_indirect_dma source(%arg12 : memref<125x40xf32, #tpu.memory_space<vmem>>) target(%dma_start3A_85 : memref<10240x40xf32, #tpu.memory_space<vmem_shared>>) offsets(%dma_start3A_82 : memref<125xi32, #tpu.memory_space<vmem>>) semaphore(%arg21 : memref<!tpu.dma_semaphore, #tpu.memory_space<semaphore_mem>>) {add = true}
      %add3A_86 = arith.constant 2 : i32
      %add3A_87 = arith.addi %add3A_68, %add3A_86 : i32
      %lt3A_88 = arith.constant 80 : i32
      %lt3A_89 = arith.cmpi slt, %add3A_87, %lt3A_88 : i32
      %convert_element_type3A_90 = arith.extui %lt3A_89 : i1 to i32
      %cond3A_91 = arith.constant 0 : i32
      %cond3A_92 = arith.cmpi ne, %convert_element_type3A_90, %cond3A_91 : i32
      scf.if %cond3A_92 {
        %add3A_149 = arith.constant 2 : i32
        %add3A_150 = arith.addi %add3A_68, %add3A_149 : i32
        %dma_start3A_151 = arith.constant 0 : i32
        %dma_start3A_152 = tpu.memref_slice %arg8[%add3A_150, %dma_start3A_151] : memref<80x125xi32, #tpu.memory_space<vmem>> -> memref<1x125xi32, #tpu.memory_space<vmem>>
        %dma_start3A_153 = tpu.memref_squeeze %dma_start3A_152 : memref<1x125xi32, #tpu.memory_space<vmem>> -> memref<125xi32, #tpu.memory_space<vmem>>
        %dma_start3A_154 = arith.constant 0 : i32
        %dma_start3A_155 = arith.constant 0 : i32
        %dma_start3A_156 = tpu.memref_slice %arg2[%dma_start3A_154, %dma_start3A_155] : memref<10000x40xf32, #tpu.memory_space<hbm>> -> memref<10000x40xf32, #tpu.memory_space<hbm>>
        tpu.enqueue_indirect_dma source(%dma_start3A_156 : memref<10000x40xf32, #tpu.memory_space<hbm>>) target(%arg14 : memref<125x40xf32, #tpu.memory_space<vmem>>) offsets(%dma_start3A_153 : memref<125xi32, #tpu.memory_space<vmem>>) semaphore(%arg20 : memref<!tpu.dma_semaphore, #tpu.memory_space<semaphore_mem>>)
      } else {
      }
      %mul3A_93 = arith.constant 4 : i32
      %mul3A_94 = arith.muli %mul3A_93, %scan3A_40 : i32
      %add3A_95 = arith.constant 2 : i32
      %add3A_96 = arith.addi %mul3A_94, %add3A_95 : i32
      %dma_wait3A_97 = arith.constant 0 : i32
      %dma_wait3A_98 = tpu.memref_slice %arg8[%add3A_96, %dma_wait3A_97] : memref<80x125xi32, #tpu.memory_space<vmem>> -> memref<1x125xi32, #tpu.memory_space<vmem>>
      %dma_wait3A_99 = tpu.memref_squeeze %dma_wait3A_98 : memref<1x125xi32, #tpu.memory_space<vmem>> -> memref<125xi32, #tpu.memory_space<vmem>>
      %dma_wait3A_100 = arith.constant 0 : i32
      %dma_wait3A_101 = arith.constant 0 : i32
      %dma_wait3A_102 = tpu.memref_slice %arg2[%dma_wait3A_100, %dma_wait3A_101] : memref<10000x40xf32, #tpu.memory_space<hbm>> -> memref<10000x40xf32, #tpu.memory_space<hbm>>
      tpu.wait_indirect_dma semaphore(%arg19 : memref<!tpu.dma_semaphore, #tpu.memory_space<semaphore_mem>>) src(%dma_wait3A_102 : memref<10000x40xf32, #tpu.memory_space<hbm>>) dst(%arg13 : memref<125x40xf32, #tpu.memory_space<vmem>>)
      %ge3A_103 = arith.constant 1 : i32
      %ge3A_104 = arith.cmpi sge, %add3A_96, %ge3A_103 : i32
      %convert_element_type3A_105 = arith.extui %ge3A_104 : i1 to i32
      %cond3A_106 = arith.constant 0 : i32
      %cond3A_107 = arith.cmpi ne, %convert_element_type3A_105, %cond3A_106 : i32
      scf.if %cond3A_107 {
        %dma_wait3A_149 = arith.constant 0 : i32
        %dma_wait3A_150 = tpu.memref_slice %arg9[%add3A_96, %dma_wait3A_149] : memref<80x125xi32, #tpu.memory_space<vmem>> -> memref<1x125xi32, #tpu.memory_space<vmem>>
        %dma_wait3A_151 = tpu.memref_squeeze %dma_wait3A_150 : memref<1x125xi32, #tpu.memory_space<vmem>> -> memref<125xi32, #tpu.memory_space<vmem>>
        %dma_wait3A_152 = arith.constant 0 : i32
        %dma_wait3A_153 = arith.constant 0 : i32
        %dma_wait3A_154 = tpu.memref_slice %arg16[%dma_wait3A_152, %dma_wait3A_153] : memref<10240x40xf32, #tpu.memory_space<vmem_shared>> -> memref<10240x40xf32, #tpu.memory_space<vmem_shared>>
        tpu.wait_indirect_dma semaphore(%arg21 : memref<!tpu.dma_semaphore, #tpu.memory_space<semaphore_mem>>) src(%arg13 : memref<125x40xf32, #tpu.memory_space<vmem>>) dst(%dma_wait3A_154 : memref<10240x40xf32, #tpu.memory_space<vmem_shared>>)
      } else {
      }
      %dma_start3A_108 = arith.constant 0 : i32
      %dma_start3A_109 = tpu.memref_slice %arg9[%add3A_96, %dma_start3A_108] : memref<80x125xi32, #tpu.memory_space<vmem>> -> memref<1x125xi32, #tpu.memory_space<vmem>>
      %dma_start3A_110 = tpu.memref_squeeze %dma_start3A_109 : memref<1x125xi32, #tpu.memory_space<vmem>> -> memref<125xi32, #tpu.memory_space<vmem>>
      %dma_start3A_111 = arith.constant 0 : i32
      %dma_start3A_112 = arith.constant 0 : i32
      %dma_start3A_113 = tpu.memref_slice %arg16[%dma_start3A_111, %dma_start3A_112] : memref<10240x40xf32, #tpu.memory_space<vmem_shared>> -> memref<10240x40xf32, #tpu.memory_space<vmem_shared>>
      tpu.enqueue_indirect_dma source(%arg13 : memref<125x40xf32, #tpu.memory_space<vmem>>) target(%dma_start3A_113 : memref<10240x40xf32, #tpu.memory_space<vmem_shared>>) offsets(%dma_start3A_110 : memref<125xi32, #tpu.memory_space<vmem>>) semaphore(%arg21 : memref<!tpu.dma_semaphore, #tpu.memory_space<semaphore_mem>>) {add = true}
      %add3A_114 = arith.constant 2 : i32
      %add3A_115 = arith.addi %add3A_96, %add3A_114 : i32
      %lt3A_116 = arith.constant 80 : i32
      %lt3A_117 = arith.cmpi slt, %add3A_115, %lt3A_116 : i32
      %convert_element_type3A_118 = arith.extui %lt3A_117 : i1 to i32
      %cond3A_119 = arith.constant 0 : i32
      %cond3A_120 = arith.cmpi ne, %convert_element_type3A_118, %cond3A_119 : i32
      scf.if %cond3A_120 {
        %add3A_149 = arith.constant 2 : i32
        %add3A_150 = arith.addi %add3A_96, %add3A_149 : i32
        %dma_start3A_151 = arith.constant 0 : i32
        %dma_start3A_152 = tpu.memref_slice %arg8[%add3A_150, %dma_start3A_151] : memref<80x125xi32, #tpu.memory_space<vmem>> -> memref<1x125xi32, #tpu.memory_space<vmem>>
        %dma_start3A_153 = tpu.memref_squeeze %dma_start3A_152 : memref<1x125xi32, #tpu.memory_space<vmem>> -> memref<125xi32, #tpu.memory_space<vmem>>
        %dma_start3A_154 = arith.constant 0 : i32
        %dma_start3A_155 = arith.constant 0 : i32
        %dma_start3A_156 = tpu.memref_slice %arg2[%dma_start3A_154, %dma_start3A_155] : memref<10000x40xf32, #tpu.memory_space<hbm>> -> memref<10000x40xf32, #tpu.memory_space<hbm>>
        tpu.enqueue_indirect_dma source(%dma_start3A_156 : memref<10000x40xf32, #tpu.memory_space<hbm>>) target(%arg11 : memref<125x40xf32, #tpu.memory_space<vmem>>) offsets(%dma_start3A_153 : memref<125xi32, #tpu.memory_space<vmem>>) semaphore(%arg17 : memref<!tpu.dma_semaphore, #tpu.memory_space<semaphore_mem>>)
      } else {
      }
      %mul3A_121 = arith.constant 4 : i32
      %mul3A_122 = arith.muli %mul3A_121, %scan3A_40 : i32
      %add3A_123 = arith.constant 3 : i32
      %add3A_124 = arith.addi %mul3A_122, %add3A_123 : i32
      %dma_wait3A_125 = arith.constant 0 : i32
      %dma_wait3A_126 = tpu.memref_slice %arg8[%add3A_124, %dma_wait3A_125] : memref<80x125xi32, #tpu.memory_space<vmem>> -> memref<1x125xi32, #tpu.memory_space<vmem>>
      %dma_wait3A_127 = tpu.memref_squeeze %dma_wait3A_126 : memref<1x125xi32, #tpu.memory_space<vmem>> -> memref<125xi32, #tpu.memory_space<vmem>>
      %dma_wait3A_128 = arith.constant 0 : i32
      %dma_wait3A_129 = arith.constant 0 : i32
      %dma_wait3A_130 = tpu.memref_slice %arg2[%dma_wait3A_128, %dma_wait3A_129] : memref<10000x40xf32, #tpu.memory_space<hbm>> -> memref<10000x40xf32, #tpu.memory_space<hbm>>
      tpu.wait_indirect_dma semaphore(%arg20 : memref<!tpu.dma_semaphore, #tpu.memory_space<semaphore_mem>>) src(%dma_wait3A_130 : memref<10000x40xf32, #tpu.memory_space<hbm>>) dst(%arg14 : memref<125x40xf32, #tpu.memory_space<vmem>>)
      %ge3A_131 = arith.constant 1 : i32
      %ge3A_132 = arith.cmpi sge, %add3A_124, %ge3A_131 : i32
      %convert_element_type3A_133 = arith.extui %ge3A_132 : i1 to i32
      %cond3A_134 = arith.constant 0 : i32
      %cond3A_135 = arith.cmpi ne, %convert_element_type3A_133, %cond3A_134 : i32
      scf.if %cond3A_135 {
        %dma_wait3A_149 = arith.constant 0 : i32
        %dma_wait3A_150 = tpu.memref_slice %arg9[%add3A_124, %dma_wait3A_149] : memref<80x125xi32, #tpu.memory_space<vmem>> -> memref<1x125xi32, #tpu.memory_space<vmem>>
        %dma_wait3A_151 = tpu.memref_squeeze %dma_wait3A_150 : memref<1x125xi32, #tpu.memory_space<vmem>> -> memref<125xi32, #tpu.memory_space<vmem>>
        %dma_wait3A_152 = arith.constant 0 : i32
        %dma_wait3A_153 = arith.constant 0 : i32
        %dma_wait3A_154 = tpu.memref_slice %arg16[%dma_wait3A_152, %dma_wait3A_153] : memref<10240x40xf32, #tpu.memory_space<vmem_shared>> -> memref<10240x40xf32, #tpu.memory_space<vmem_shared>>
        tpu.wait_indirect_dma semaphore(%arg21 : memref<!tpu.dma_semaphore, #tpu.memory_space<semaphore_mem>>) src(%arg14 : memref<125x40xf32, #tpu.memory_space<vmem>>) dst(%dma_wait3A_154 : memref<10240x40xf32, #tpu.memory_space<vmem_shared>>)
      } else {
      }
      %dma_start3A_136 = arith.constant 0 : i32
      %dma_start3A_137 = tpu.memref_slice %arg9[%add3A_124, %dma_start3A_136] : memref<80x125xi32, #tpu.memory_space<vmem>> -> memref<1x125xi32, #tpu.memory_space<vmem>>
      %dma_start3A_138 = tpu.memref_squeeze %dma_start3A_137 : memref<1x125xi32, #tpu.memory_space<vmem>> -> memref<125xi32, #tpu.memory_space<vmem>>
      %dma_start3A_139 = arith.constant 0 : i32
      %dma_start3A_140 = arith.constant 0 : i32
      %dma_start3A_141 = tpu.memref_slice %arg16[%dma_start3A_139, %dma_start3A_140] : memref<10240x40xf32, #tpu.memory_space<vmem_shared>> -> memref<10240x40xf32, #tpu.memory_space<vmem_shared>>
      tpu.enqueue_indirect_dma source(%arg14 : memref<125x40xf32, #tpu.memory_space<vmem>>) target(%dma_start3A_141 : memref<10240x40xf32, #tpu.memory_space<vmem_shared>>) offsets(%dma_start3A_138 : memref<125xi32, #tpu.memory_space<vmem>>) semaphore(%arg21 : memref<!tpu.dma_semaphore, #tpu.memory_space<semaphore_mem>>) {add = true}
      %add3A_142 = arith.constant 2 : i32
      %add3A_143 = arith.addi %add3A_124, %add3A_142 : i32
      %lt3A_144 = arith.constant 80 : i32
      %lt3A_145 = arith.cmpi slt, %add3A_143, %lt3A_144 : i32
      %convert_element_type3A_146 = arith.extui %lt3A_145 : i1 to i32
      %cond3A_147 = arith.constant 0 : i32
      %cond3A_148 = arith.cmpi ne, %convert_element_type3A_146, %cond3A_147 : i32
      scf.if %cond3A_148 {
        %add3A_149 = arith.constant 2 : i32
        %add3A_150 = arith.addi %add3A_124, %add3A_149 : i32
        %dma_start3A_151 = arith.constant 0 : i32
        %dma_start3A_152 = tpu.memref_slice %arg8[%add3A_150, %dma_start3A_151] : memref<80x125xi32, #tpu.memory_space<vmem>> -> memref<1x125xi32, #tpu.memory_space<vmem>>
        %dma_start3A_153 = tpu.memref_squeeze %dma_start3A_152 : memref<1x125xi32, #tpu.memory_space<vmem>> -> memref<125xi32, #tpu.memory_space<vmem>>
        %dma_start3A_154 = arith.constant 0 : i32
        %dma_start3A_155 = arith.constant 0 : i32
        %dma_start3A_156 = tpu.memref_slice %arg2[%dma_start3A_154, %dma_start3A_155] : memref<10000x40xf32, #tpu.memory_space<hbm>> -> memref<10000x40xf32, #tpu.memory_space<hbm>>
        tpu.enqueue_indirect_dma source(%dma_start3A_156 : memref<10000x40xf32, #tpu.memory_space<hbm>>) target(%arg12 : memref<125x40xf32, #tpu.memory_space<vmem>>) offsets(%dma_start3A_153 : memref<125xi32, #tpu.memory_space<vmem>>) semaphore(%arg18 : memref<!tpu.dma_semaphore, #tpu.memory_space<semaphore_mem>>)
      } else {
      }
    }
    %scan3A_28 = arith.constant 20 : i32
    %dma_wait3A = arith.constant 0 : i32
    %dma_wait3A_29 = arith.constant 0 : i32
    %dma_wait3A_30 = tpu.memref_slice %arg9[%dma_wait3A, %dma_wait3A_29] : memref<80x125xi32, #tpu.memory_space<vmem>> -> memref<1x125xi32, #tpu.memory_space<vmem>>
    %dma_wait3A_31 = tpu.memref_squeeze %dma_wait3A_30 : memref<1x125xi32, #tpu.memory_space<vmem>> -> memref<125xi32, #tpu.memory_space<vmem>>
    %dma_wait3A_32 = arith.constant 0 : i32
    %dma_wait3A_33 = arith.constant 0 : i32
    %dma_wait3A_34 = tpu.memref_slice %arg16[%dma_wait3A_32, %dma_wait3A_33] : memref<10240x40xf32, #tpu.memory_space<vmem_shared>> -> memref<10240x40xf32, #tpu.memory_space<vmem_shared>>
    tpu.wait_indirect_dma semaphore(%arg21 : memref<!tpu.dma_semaphore, #tpu.memory_space<semaphore_mem>>) src(%arg14 : memref<125x40xf32, #tpu.memory_space<vmem>>) dst(%dma_wait3A_34 : memref<10240x40xf32, #tpu.memory_space<vmem_shared>>)
    %barrier3A_35 = arith.constant 0 : index
    tpu.barrier barrier_id(%barrier3A_35)
    %mul3A_36 = arith.constant 640 : i32
    %mul3A_37 = arith.muli %arg1, %mul3A_36 : i32
    %mul3A_38 = arith.constant 640 : i32
    %mul3A_39 = arith.muli %arg1, %mul3A_38 : i32
    "tpu.region"() ({
      %run_scoped3A = tpu.sem_alloc : memref<!tpu.dma_semaphore, #tpu.memory_space<semaphore_mem>>
      %dma_start3A_40 = arith.constant 0 : i32
      %dma_start3A_41 = tpu.memref_slice %arg7[%arg0, %mul3A_39, %dma_start3A_40] : memref<2x10240x40xf32, #tpu.memory_space<hbm>> -> memref<1x640x40xf32, #tpu.memory_space<hbm>>
      %dma_start3A_42 = tpu.memref_squeeze %dma_start3A_41 : memref<1x640x40xf32, #tpu.memory_space<hbm>> -> memref<640x40xf32, #tpu.memory_space<hbm>>
      %dma_start3A_43 = arith.constant 0 : i32
      %dma_start3A_44 = tpu.memref_slice %arg16[%mul3A_37, %dma_start3A_43] : memref<10240x40xf32, #tpu.memory_space<vmem_shared>> -> memref<640x40xf32, #tpu.memory_space<vmem_shared>>
      tpu.enqueue_dma source(%dma_start3A_44 : memref<640x40xf32, #tpu.memory_space<vmem_shared>>) target(%dma_start3A_42 : memref<640x40xf32, #tpu.memory_space<hbm>>) target_semaphore(%run_scoped3A : memref<!tpu.dma_semaphore, #tpu.memory_space<semaphore_mem>>)
      %dma_wait3A_45 = arith.constant 0 : i32
      %dma_wait3A_46 = tpu.memref_slice %arg7[%arg0, %mul3A_39, %dma_wait3A_45] : memref<2x10240x40xf32, #tpu.memory_space<hbm>> -> memref<1x640x40xf32, #tpu.memory_space<hbm>>
      %dma_wait3A_47 = tpu.memref_squeeze %dma_wait3A_46 : memref<1x640x40xf32, #tpu.memory_space<hbm>> -> memref<640x40xf32, #tpu.memory_space<hbm>>
      %dma_wait3A_48 = arith.constant 0 : i32
      %dma_wait3A_49 = tpu.memref_slice %arg16[%mul3A_37, %dma_wait3A_48] : memref<10240x40xf32, #tpu.memory_space<vmem_shared>> -> memref<640x40xf32, #tpu.memory_space<vmem_shared>>
      tpu.wait_dma2 semaphore(%run_scoped3A : memref<!tpu.dma_semaphore, #tpu.memory_space<semaphore_mem>>) src(%dma_wait3A_49 : memref<640x40xf32, #tpu.memory_space<vmem_shared>>) dst(%dma_wait3A_47 : memref<640x40xf32, #tpu.memory_space<hbm>>)
      tpu.yield
    }) : () -> ()
    return
  }
}

module attributes {stable_mosaic.version = 14 : i64} {
  func.func @_tc1a_body(%arg0: i32, %arg1: memref<2000x128xf32, #tpu.memory_space<vmem>>, %arg2: memref<128x128xf32, #tpu.memory_space<vmem>>, %arg3: memref<2000x128xf32, #tpu.memory_space<vmem>>) attributes {dimension_semantics = [#tpu.dimension_semantics<arbitrary>], iteration_bounds = array<i64: 5>, scalar_prefetch = 0 : i64, scratch_operands = 0 : i64, tpu.core_type = #tpu.core_type<tc>, window_params = [{transform_indices = @transform_0, window_bounds = array<i64: 2000, 128>}, {pipeline_mode = #tpu.pipeline_mode<synchronous>, transform_indices = @transform_1, window_bounds = array<i64: 128, 128>}, {transform_indices = @transform_2, window_bounds = array<i64: 2000, 128>}]} {
    %get3A = arith.constant 0 : index
    %get3A_0 = arith.constant 0 : index
    %get3A_1 = vector.load %arg1[%get3A, %get3A_0] : memref<2000x128xf32, #tpu.memory_space<vmem>>, vector<2000x128xf32>
    %get3A_2 = arith.constant 0 : index
    %get3A_3 = arith.constant 0 : index
    %get3A_4 = vector.load %arg2[%get3A_2, %get3A_3] : memref<128x128xf32, #tpu.memory_space<vmem>>, vector<128x128xf32>
    %dot_general3A = arith.constant dense<0.000000e+00> : vector<2000x128xf32>
    %dot_general3A_5 = tpu.matmul %get3A_1, %get3A_4, %dot_general3A {dimension_numbers = #tpu.dot_dimension_numbers<[1], [0], [0], [1], [0, 0, 1, 1], [], []>, transpose_lhs_hint = false} : vector<2000x128xf32>, vector<128x128xf32>, vector<2000x128xf32> -> vector<2000x128xf32>
    %swap3A = arith.constant 0 : index
    %swap3A_6 = arith.constant 0 : index
    %swap3A_7 = vector.load %arg3[%swap3A, %swap3A_6] : memref<2000x128xf32, #tpu.memory_space<vmem>>, vector<2000x128xf32>
    tpu.vector_store %arg3[%swap3A, %swap3A_6], %dot_general3A_5 {strides = array<i32>} : memref<2000x128xf32, #tpu.memory_space<vmem>>, vector<2000x128xf32>,
    return
  }
  func.func @transform_0(%arg0: i32) -> (i32, i32) {
    %c0_i32 = arith.constant 0 : i32
    %c0_i32_0 = arith.constant 0 : i32
    return %arg0, %c0_i32 : i32, i32
  }
  func.func @transform_1(%arg0: i32) -> (i32, i32) {
    %c0_i32 = arith.constant 0 : i32
    %c0_i32_0 = arith.constant 0 : i32
    %c0_i32_1 = arith.constant 0 : i32
    return %c0_i32, %c0_i32_0 : i32, i32
  }
  func.func @transform_2(%arg0: i32) -> (i32, i32) {
    %c0_i32 = arith.constant 0 : i32
    %c0_i32_0 = arith.constant 0 : i32
    return %arg0, %c0_i32 : i32, i32
  }
}

module attributes {stable_mosaic.version = 14 : i64} {
  func.func @_tc1b_body(%arg0: i32, %arg1: memref<2000x128xf32, #tpu.memory_space<vmem>>, %arg2: memref<2000x2xf32, #tpu.memory_space<vmem>>, %arg3: memref<2000x64xf32, #tpu.memory_space<vmem>>, %arg4: memref<2000x64xf32, #tpu.memory_space<vmem>>, %arg5: memref<2000x1xf32, #tpu.memory_space<vmem>>) attributes {dimension_semantics = [#tpu.dimension_semantics<arbitrary>], iteration_bounds = array<i64: 5>, scalar_prefetch = 0 : i64, scratch_operands = 0 : i64, tpu.core_type = #tpu.core_type<tc>, window_params = [{transform_indices = @transform_0, window_bounds = array<i64: 2000, 128>}, {transform_indices = @transform_1, window_bounds = array<i64: 2000, 2>}, {transform_indices = @transform_2, window_bounds = array<i64: 2000, 64>}, {transform_indices = @transform_3, window_bounds = array<i64: 2000, 64>}, {transform_indices = @transform_4, window_bounds = array<i64: 2000, 1>}]} {
    %get3A = arith.constant 0 : index
    %get3A_0 = arith.constant 0 : index
    %get3A_1 = vector.load %arg2[%get3A, %get3A_0] : memref<2000x2xf32, #tpu.memory_space<vmem>>, vector<2000x2xf32>
    %slice3A = vector.extract_strided_slice %get3A_1 {offsets = [0, 0], sizes = [2000, 1], strides = [1, 1]} : vector<2000x2xf32> to vector<2000x1xf32>
    %slice3A_2 = vector.extract_strided_slice %get3A_1 {offsets = [0, 1], sizes = [2000, 1], strides = [1, 1]} : vector<2000x2xf32> to vector<2000x1xf32>
    %add3A = arith.addf %slice3A, %slice3A_2 : vector<2000x1xf32>
    %add3A_3 = arith.constant 1.000000e+00 : f32
    %add3A_4 = vector.broadcast %add3A_3 : f32 to vector<2000x1xf32>
    %add3A_5 = arith.addf %add3A, %add3A_4 : vector<2000x1xf32>
    %rsqrt3A = math.rsqrt %add3A_5 : vector<2000x1xf32>
    %get3A_6 = arith.constant 0 : index
    %get3A_7 = arith.constant 0 : index
    %get3A_8 = vector.load %arg1[%get3A_6, %get3A_7] : memref<2000x128xf32, #tpu.memory_space<vmem>>, vector<2000x128xf32>
    %mul3A = vector.broadcast %rsqrt3A : vector<2000x1xf32> to vector<2000x128xf32>
    %mul3A_9 = arith.mulf %get3A_8, %mul3A : vector<2000x128xf32>
    %slice3A_10 = vector.extract_strided_slice %mul3A_9 {offsets = [0, 0], sizes = [2000, 64], strides = [1, 1]} : vector<2000x128xf32> to vector<2000x64xf32>
    %swap3A = arith.constant 0 : index
    %swap3A_11 = arith.constant 0 : index
    %swap3A_12 = vector.load %arg3[%swap3A, %swap3A_11] : memref<2000x64xf32, #tpu.memory_space<vmem>>, vector<2000x64xf32>
    tpu.vector_store %arg3[%swap3A, %swap3A_11], %slice3A_10 {strides = array<i32>} : memref<2000x64xf32, #tpu.memory_space<vmem>>, vector<2000x64xf32>,
    %slice3A_13 = vector.extract_strided_slice %mul3A_9 {offsets = [0, 64], sizes = [2000, 64], strides = [1, 1]} : vector<2000x128xf32> to vector<2000x64xf32>
    %swap3A_14 = arith.constant 0 : index
    %swap3A_15 = arith.constant 0 : index
    %swap3A_16 = vector.load %arg4[%swap3A_14, %swap3A_15] : memref<2000x64xf32, #tpu.memory_space<vmem>>, vector<2000x64xf32>
    tpu.vector_store %arg4[%swap3A_14, %swap3A_15], %slice3A_13 {strides = array<i32>} : memref<2000x64xf32, #tpu.memory_space<vmem>>, vector<2000x64xf32>,
    %swap3A_17 = arith.constant 0 : index
    %swap3A_18 = arith.constant 0 : index
    %swap3A_19 = vector.load %arg5[%swap3A_17, %swap3A_18] : memref<2000x1xf32, #tpu.memory_space<vmem>>, vector<2000x1xf32>
    tpu.vector_store %arg5[%swap3A_17, %swap3A_18], %rsqrt3A {strides = array<i32>} : memref<2000x1xf32, #tpu.memory_space<vmem>>, vector<2000x1xf32>,
    return
  }
  func.func @transform_0(%arg0: i32) -> (i32, i32) {
    %c0_i32 = arith.constant 0 : i32
    %c0_i32_0 = arith.constant 0 : i32
    return %arg0, %c0_i32 : i32, i32
  }
  func.func @transform_1(%arg0: i32) -> (i32, i32) {
    %c0_i32 = arith.constant 0 : i32
    %c0_i32_0 = arith.constant 0 : i32
    return %arg0, %c0_i32 : i32, i32
  }
  func.func @transform_2(%arg0: i32) -> (i32, i32) {
    %c0_i32 = arith.constant 0 : i32
    %c0_i32_0 = arith.constant 0 : i32
    return %arg0, %c0_i32 : i32, i32
  }
  func.func @transform_3(%arg0: i32) -> (i32, i32) {
    %c0_i32 = arith.constant 0 : i32
    %c0_i32_0 = arith.constant 0 : i32
    return %arg0, %c0_i32 : i32, i32
  }
  func.func @transform_4(%arg0: i32) -> (i32, i32) {
    %c0_i32 = arith.constant 0 : i32
    %c0_i32_0 = arith.constant 0 : i32
    return %arg0, %c0_i32 : i32, i32
  }
}

module attributes {stable_mosaic.version = 14 : i64} {
  func.func @_tc2_body(%arg0: i32, %arg1: memref<2x2000x64xf32, #tpu.memory_space<vmem>>, %arg2: memref<2x2000x64xf32, #tpu.memory_space<vmem>>, %arg3: memref<2000x64xf32, #tpu.memory_space<vmem>>, %arg4: memref<2000x64xf32, #tpu.memory_space<vmem>>, %arg5: memref<2000x1xf32, #tpu.memory_space<vmem>>, %arg6: memref<1x128xf32, #tpu.memory_space<vmem>>, %arg7: memref<128x40xf32, #tpu.memory_space<vmem>>, %arg8: memref<2000x40xf32, #tpu.memory_space<vmem>>) attributes {dimension_semantics = [#tpu.dimension_semantics<arbitrary>], iteration_bounds = array<i64: 5>, scalar_prefetch = 0 : i64, scratch_operands = 0 : i64, tpu.core_type = #tpu.core_type<tc>, window_params = [{transform_indices = @transform_0, window_bounds = array<i64: 2, 2000, 64>}, {transform_indices = @transform_1, window_bounds = array<i64: 2, 2000, 64>}, {transform_indices = @transform_2, window_bounds = array<i64: 2000, 64>}, {transform_indices = @transform_3, window_bounds = array<i64: 2000, 64>}, {transform_indices = @transform_4, window_bounds = array<i64: 2000, 1>}, {pipeline_mode = #tpu.pipeline_mode<synchronous>, transform_indices = @transform_5, window_bounds = array<i64: 1, 128>}, {pipeline_mode = #tpu.pipeline_mode<synchronous>, transform_indices = @transform_6, window_bounds = array<i64: 128, 40>}, {transform_indices = @transform_7, window_bounds = array<i64: 2000, 40>}]} {
    %get3A = arith.constant 0 : index
    %get3A_0 = arith.constant 0 : index
    %get3A_1 = arith.constant 0 : index
    %get3A_2 = vector.load %arg1[%get3A, %get3A_0, %get3A_1] : memref<2x2000x64xf32, #tpu.memory_space<vmem>>, vector<1x2000x64xf32>
    %get3A_3 = vector.shape_cast %get3A_2 : vector<1x2000x64xf32> to vector<2000x64xf32>
    %get3A_4 = arith.constant 1 : index
    %get3A_5 = arith.constant 0 : index
    %get3A_6 = arith.constant 0 : index
    %get3A_7 = vector.load %arg1[%get3A_4, %get3A_5, %get3A_6] : memref<2x2000x64xf32, #tpu.memory_space<vmem>>, vector<1x2000x64xf32>
    %get3A_8 = vector.shape_cast %get3A_7 : vector<1x2000x64xf32> to vector<2000x64xf32>
    %add3A = arith.addf %get3A_3, %get3A_8 : vector<2000x64xf32>
    %get3A_9 = arith.constant 0 : index
    %get3A_10 = arith.constant 0 : index
    %get3A_11 = vector.load %arg3[%get3A_9, %get3A_10] : memref<2000x64xf32, #tpu.memory_space<vmem>>, vector<2000x64xf32>
    %add3A_12 = arith.addf %add3A, %get3A_11 : vector<2000x64xf32>
    %get3A_13 = arith.constant 0 : index
    %get3A_14 = arith.constant 0 : index
    %get3A_15 = arith.constant 0 : index
    %get3A_16 = vector.load %arg2[%get3A_13, %get3A_14, %get3A_15] : memref<2x2000x64xf32, #tpu.memory_space<vmem>>, vector<1x2000x64xf32>
    %get3A_17 = vector.shape_cast %get3A_16 : vector<1x2000x64xf32> to vector<2000x64xf32>
    %get3A_18 = arith.constant 1 : index
    %get3A_19 = arith.constant 0 : index
    %get3A_20 = arith.constant 0 : index
    %get3A_21 = vector.load %arg2[%get3A_18, %get3A_19, %get3A_20] : memref<2x2000x64xf32, #tpu.memory_space<vmem>>, vector<1x2000x64xf32>
    %get3A_22 = vector.shape_cast %get3A_21 : vector<1x2000x64xf32> to vector<2000x64xf32>
    %add3A_23 = arith.addf %get3A_17, %get3A_22 : vector<2000x64xf32>
    %get3A_24 = arith.constant 0 : index
    %get3A_25 = arith.constant 0 : index
    %get3A_26 = vector.load %arg4[%get3A_24, %get3A_25] : memref<2000x64xf32, #tpu.memory_space<vmem>>, vector<2000x64xf32>
    %add3A_27 = arith.addf %add3A_23, %get3A_26 : vector<2000x64xf32>
    %concatenate3A = tpu.concatenate %add3A_12, %add3A_27 in 1 : vector<2000x64xf32>, vector<2000x64xf32> -> vector<2000x128xf32>
    %get3A_28 = arith.constant 0 : index
    %get3A_29 = arith.constant 0 : index
    %get3A_30 = vector.load %arg5[%get3A_28, %get3A_29] : memref<2000x1xf32, #tpu.memory_space<vmem>>, vector<2000x1xf32>
    %mul3A = vector.broadcast %get3A_30 : vector<2000x1xf32> to vector<2000x128xf32>
    %mul3A_31 = arith.mulf %concatenate3A, %mul3A : vector<2000x128xf32>
    %get3A_32 = arith.constant 0 : index
    %get3A_33 = arith.constant 0 : index
    %get3A_34 = vector.load %arg6[%get3A_32, %get3A_33] : memref<1x128xf32, #tpu.memory_space<vmem>>, vector<1x128xf32>
    %add3A_35 = vector.broadcast %get3A_34 : vector<1x128xf32> to vector<2000x128xf32>
    %add3A_36 = arith.addf %mul3A_31, %add3A_35 : vector<2000x128xf32>
    %max3A = arith.constant 0.000000e+00 : f32
    %max3A_37 = vector.broadcast %max3A : f32 to vector<2000x128xf32>
    %max3A_38 = arith.maximumf %add3A_36, %max3A_37 : vector<2000x128xf32>
    %get3A_39 = arith.constant 0 : index
    %get3A_40 = arith.constant 0 : index
    %get3A_41 = vector.load %arg7[%get3A_39, %get3A_40] : memref<128x40xf32, #tpu.memory_space<vmem>>, vector<128x40xf32>
    %dot_general3A = arith.constant dense<0.000000e+00> : vector<2000x40xf32>
    %dot_general3A_42 = tpu.matmul %max3A_38, %get3A_41, %dot_general3A {dimension_numbers = #tpu.dot_dimension_numbers<[1], [0], [0], [1], [0, 0, 1, 1], [], []>, transpose_lhs_hint = false} : vector<2000x128xf32>, vector<128x40xf32>, vector<2000x40xf32> -> vector<2000x40xf32>
    %get3A_43 = arith.constant 0 : index
    %get3A_44 = arith.constant 0 : index
    %get3A_45 = vector.load %arg5[%get3A_43, %get3A_44] : memref<2000x1xf32, #tpu.memory_space<vmem>>, vector<2000x1xf32>
    %mul3A_46 = vector.broadcast %get3A_45 : vector<2000x1xf32> to vector<2000x40xf32>
    %mul3A_47 = arith.mulf %dot_general3A_42, %mul3A_46 : vector<2000x40xf32>
    %swap3A = arith.constant 0 : index
    %swap3A_48 = arith.constant 0 : index
    %swap3A_49 = vector.load %arg8[%swap3A, %swap3A_48] : memref<2000x40xf32, #tpu.memory_space<vmem>>, vector<2000x40xf32>
    tpu.vector_store %arg8[%swap3A, %swap3A_48], %mul3A_47 {strides = array<i32>} : memref<2000x40xf32, #tpu.memory_space<vmem>>, vector<2000x40xf32>,
    return
  }
  func.func @transform_0(%arg0: i32) -> (i32, i32, i32) {
    %c0_i32 = arith.constant 0 : i32
    %c0_i32_0 = arith.constant 0 : i32
    %c0_i32_1 = arith.constant 0 : i32
    return %c0_i32, %arg0, %c0_i32_0 : i32, i32, i32
  }
  func.func @transform_1(%arg0: i32) -> (i32, i32, i32) {
    %c0_i32 = arith.constant 0 : i32
    %c0_i32_0 = arith.constant 0 : i32
    %c0_i32_1 = arith.constant 0 : i32
    return %c0_i32, %arg0, %c0_i32_0 : i32, i32, i32
  }
  func.func @transform_2(%arg0: i32) -> (i32, i32) {
    %c0_i32 = arith.constant 0 : i32
    %c0_i32_0 = arith.constant 0 : i32
    return %arg0, %c0_i32 : i32, i32
  }
  func.func @transform_3(%arg0: i32) -> (i32, i32) {
    %c0_i32 = arith.constant 0 : i32
    %c0_i32_0 = arith.constant 0 : i32
    return %arg0, %c0_i32 : i32, i32
  }
  func.func @transform_4(%arg0: i32) -> (i32, i32) {
    %c0_i32 = arith.constant 0 : i32
    %c0_i32_0 = arith.constant 0 : i32
    return %arg0, %c0_i32 : i32, i32
  }
  func.func @transform_5(%arg0: i32) -> (i32, i32) {
    %c0_i32 = arith.constant 0 : i32
    %c0_i32_0 = arith.constant 0 : i32
    %c0_i32_1 = arith.constant 0 : i32
    return %c0_i32, %c0_i32_0 : i32, i32
  }
  func.func @transform_6(%arg0: i32) -> (i32, i32) {
    %c0_i32 = arith.constant 0 : i32
    %c0_i32_0 = arith.constant 0 : i32
    %c0_i32_1 = arith.constant 0 : i32
    return %c0_i32, %c0_i32_0 : i32, i32
  }
  func.func @transform_7(%arg0: i32) -> (i32, i32) {
    %c0_i32 = arith.constant 0 : i32
    %c0_i32_0 = arith.constant 0 : i32
    return %arg0, %c0_i32 : i32, i32
  }
}

module attributes {stable_mosaic.version = 14 : i64} {
  func.func @_tc3_body(%arg0: i32, %arg1: memref<2x2000x40xf32, #tpu.memory_space<vmem>>, %arg2: memref<2000x40xf32, #tpu.memory_space<vmem>>, %arg3: memref<2000x1xf32, #tpu.memory_space<vmem>>, %arg4: memref<1x40xf32, #tpu.memory_space<vmem>>, %arg5: memref<2000x40xf32, #tpu.memory_space<vmem>>) attributes {dimension_semantics = [#tpu.dimension_semantics<arbitrary>], iteration_bounds = array<i64: 5>, scalar_prefetch = 0 : i64, scratch_operands = 0 : i64, tpu.core_type = #tpu.core_type<tc>, window_params = [{transform_indices = @transform_0, window_bounds = array<i64: 2, 2000, 40>}, {transform_indices = @transform_1, window_bounds = array<i64: 2000, 40>}, {transform_indices = @transform_2, window_bounds = array<i64: 2000, 1>}, {pipeline_mode = #tpu.pipeline_mode<synchronous>, transform_indices = @transform_3, window_bounds = array<i64: 1, 40>}, {transform_indices = @transform_4, window_bounds = array<i64: 2000, 40>}]} {
    %get3A = arith.constant 0 : index
    %get3A_0 = arith.constant 0 : index
    %get3A_1 = arith.constant 0 : index
    %get3A_2 = vector.load %arg1[%get3A, %get3A_0, %get3A_1] : memref<2x2000x40xf32, #tpu.memory_space<vmem>>, vector<1x2000x40xf32>
    %get3A_3 = vector.shape_cast %get3A_2 : vector<1x2000x40xf32> to vector<2000x40xf32>
    %get3A_4 = arith.constant 1 : index
    %get3A_5 = arith.constant 0 : index
    %get3A_6 = arith.constant 0 : index
    %get3A_7 = vector.load %arg1[%get3A_4, %get3A_5, %get3A_6] : memref<2x2000x40xf32, #tpu.memory_space<vmem>>, vector<1x2000x40xf32>
    %get3A_8 = vector.shape_cast %get3A_7 : vector<1x2000x40xf32> to vector<2000x40xf32>
    %add3A = arith.addf %get3A_3, %get3A_8 : vector<2000x40xf32>
    %get3A_9 = arith.constant 0 : index
    %get3A_10 = arith.constant 0 : index
    %get3A_11 = vector.load %arg2[%get3A_9, %get3A_10] : memref<2000x40xf32, #tpu.memory_space<vmem>>, vector<2000x40xf32>
    %add3A_12 = arith.addf %add3A, %get3A_11 : vector<2000x40xf32>
    %get3A_13 = arith.constant 0 : index
    %get3A_14 = arith.constant 0 : index
    %get3A_15 = vector.load %arg3[%get3A_13, %get3A_14] : memref<2000x1xf32, #tpu.memory_space<vmem>>, vector<2000x1xf32>
    %mul3A = vector.broadcast %get3A_15 : vector<2000x1xf32> to vector<2000x40xf32>
    %mul3A_16 = arith.mulf %add3A_12, %mul3A : vector<2000x40xf32>
    %get3A_17 = arith.constant 0 : index
    %get3A_18 = arith.constant 0 : index
    %get3A_19 = vector.load %arg4[%get3A_17, %get3A_18] : memref<1x40xf32, #tpu.memory_space<vmem>>, vector<1x40xf32>
    %add3A_20 = vector.broadcast %get3A_19 : vector<1x40xf32> to vector<2000x40xf32>
    %add3A_21 = arith.addf %mul3A_16, %add3A_20 : vector<2000x40xf32>
    %reduce_max3A = arith.constant dense<0xFF800000> : vector<2000xf32>
    %reduce_max3A_22 = vector.multi_reduction <maximumf>, %add3A_21, %reduce_max3A [1] : vector<2000x40xf32> to vector<2000xf32>
    %broadcast_in_dim3A = vector.shape_cast %reduce_max3A_22 : vector<2000xf32> to vector<2000x1xf32>
    %sub3A = vector.broadcast %broadcast_in_dim3A : vector<2000x1xf32> to vector<2000x40xf32>
    %sub3A_23 = arith.subf %add3A_21, %sub3A : vector<2000x40xf32>
    %exp3A = math.exp %sub3A_23 : vector<2000x40xf32>
    %reduce_sum3A = arith.constant dense<0.000000e+00> : vector<2000xf32>
    %reduce_sum3A_24 = vector.multi_reduction <add>, %exp3A, %reduce_sum3A [1] : vector<2000x40xf32> to vector<2000xf32>
    %broadcast_in_dim3A_25 = vector.shape_cast %reduce_sum3A_24 : vector<2000xf32> to vector<2000x1xf32>
    %sub3A_26 = vector.broadcast %broadcast_in_dim3A : vector<2000x1xf32> to vector<2000x40xf32>
    %sub3A_27 = arith.subf %add3A_21, %sub3A_26 : vector<2000x40xf32>
    %log3A = math.log %broadcast_in_dim3A_25 : vector<2000x1xf32>
    %sub3A_28 = vector.broadcast %log3A : vector<2000x1xf32> to vector<2000x40xf32>
    %sub3A_29 = arith.subf %sub3A_27, %sub3A_28 : vector<2000x40xf32>
    %swap3A = arith.constant 0 : index
    %swap3A_30 = arith.constant 0 : index
    %swap3A_31 = vector.load %arg5[%swap3A, %swap3A_30] : memref<2000x40xf32, #tpu.memory_space<vmem>>, vector<2000x40xf32>
    tpu.vector_store %arg5[%swap3A, %swap3A_30], %sub3A_29 {strides = array<i32>} : memref<2000x40xf32, #tpu.memory_space<vmem>>, vector<2000x40xf32>,
    return
  }
  func.func @transform_0(%arg0: i32) -> (i32, i32, i32) {
    %c0_i32 = arith.constant 0 : i32
    %c0_i32_0 = arith.constant 0 : i32
    %c0_i32_1 = arith.constant 0 : i32
    return %c0_i32, %arg0, %c0_i32_0 : i32, i32, i32
  }
  func.func @transform_1(%arg0: i32) -> (i32, i32) {
    %c0_i32 = arith.constant 0 : i32
    %c0_i32_0 = arith.constant 0 : i32
    return %arg0, %c0_i32 : i32, i32
  }
  func.func @transform_2(%arg0: i32) -> (i32, i32) {
    %c0_i32 = arith.constant 0 : i32
    %c0_i32_0 = arith.constant 0 : i32
    return %arg0, %c0_i32 : i32, i32
  }
  func.func @transform_3(%arg0: i32) -> (i32, i32) {
    %c0_i32 = arith.constant 0 : i32
    %c0_i32_0 = arith.constant 0 : i32
    %c0_i32_1 = arith.constant 0 : i32
    return %c0_i32, %c0_i32_0 : i32, i32
  }
  func.func @transform_4(%arg0: i32) -> (i32, i32) {
    %c0_i32 = arith.constant 0 : i32
    %c0_i32_0 = arith.constant 0 : i32
    return %arg0, %c0_i32 : i32, i32
  }
}

</mosaic_0001>

<sc_bundles>
// kernel: kernel.12.cloned.1.call-start
scs
__scs_entry_jumppad:
0x0: {  	(pc) =	sbr.rel $0x88, $3  }
0x1: {  	(tag) =	ssettag $0x0;
	lr =	simm.s32 $0x1  }
0x2: {  	[smem:$0x3F9B] =	sst lr;
	_ =	strace $0xD0000000  }
0x3: {  	_ = 	snop  }
0x4: {  	_ = 	snop  }
0x5: {  	_ = 	snop  }
0x6: {  	_ = 	snop  }
0x7: {  	_ = 	snop  }
__scs_overlays_trampoline_lowered:
0x8: {  	[smem:$0x3FAA] =	sst s0  }
0x9: {  	[smem:$0x3FAB] =	sst s1  }
0xa: {  	[smem:$0x3FAC] =	sst s2  }
0xb: {  	[smem:$0x3FAD] =	sst s3  }
0xc: {  	[smem:$0x3FAE] =	sst s4  }
0xd: {  	[smem:$0x3FAF] =	sst s5  }
0xe: {  	[smem:$0x3FB0] =	sst s6  }
0xf: {  	[smem:$0x3FB1] =	sst s7  }
0x10: {  	[smem:$0x3FB2] =	sst s8  }
0x11: {  	[smem:$0x3FB3] =	sst s9;
	s0 =	simm.s32 @!p0 $0x0  }
0x12: {  	s1 =	sld [smem:$0x3F99];
	s0 =	simm.s32 @p0 $0x1  }
0x13: {  	[smem:$0x3FB4] =	sst s0;
	s0 =	simm.s32 @!p1 $0x0  }
0x14: {  	s2 =	sld [smem:$0x3F98];
	s0 =	simm.s32 @p1 $0x1  }
0x15: {  	[smem:$0x3FB5] =	sst s0;
	s0 =	simm.s32 @!p2 $0x0  }
0x16: {  	s3 =	sld [smem:$0x3FDB];
	s0 =	simm.s32 @p2 $0x1  }
0x17: {  	s4 =	simm.s32 $0x1BF5;
	[smem:$0x3FB7] =	sst s0  }
0x18: {  	s0 =	sld [smem:$0x3F9A];
	_ =	swait.ge [sflag:s4], $0x0  }
0x19: {  	s7 =	sld [smem:$0x3F9B]  }
0x1a: {  	s8 =	sadd.s32 $0xFFFFE003, lr  }
0x1b: {  	s9 =	sadd.s32 $0xFFFFFEF7, lr;
	s5 =	simm.s32 $0xFFFFFFFF;
	p2 =	slt.u32 s8, $0xFFFFF086  }
0x1c: {  	p1 =	slt.u32 s9, $0xF7A;
	s5 =	simm.s32 @!p2 $0x0  }
0x1d: {  	s5 =	simm.s32 @p1 $0x1;
	p0 =	seq.s32 s7, s2  }
0x1e: {  	s7 =	smul.u32 @!p0 $0xF7A, s2;
	p2 =	seq.s32 @!p0 s5, $0x0  }
0x1f: {  	s9 =	smul.u32 $0xF7A, s1;
	s8 =	simm.s32 @!p0 $0x1BF5;
	p2 =	por !p2, p0  }
0x20: {  	[sflag:s8] =	ssyncset.s32 @!p0 $0xFFFFF086;
	s6 =	sadd.s32 @!p0 s3, s7;
	s7 =	simm.s32 @!p0 $0x108  }
0x21: {  	s3 =	sadd.s32 s3, s9;
	s6 =	sadd.s32 @!p0 $0x88, s6;
	s7 =	simm.s32 @p2 $0x1082  }
0x22: {  	[simem:s7], [sflag:s8] =	dma.local @!p0 [hbm:s6], $0xF7A  }
0x23: {  	s9 =	sor.u32 $0xD0000000, s2;
	s6 =	simm.s32 $0x108;
	_ =	swait.ge @!p0 [sflag:s8], $0x0  }
0x24: {  	s3 =	sadd.s32 $0x88, s3;
	s6 =	simm.s32 @!p1 $0x1082;
	[sflag:s4] =	ssyncset.s32 $0xFFFFF086  }
0x25: {  	[simem:s6], [sflag:s4] =	dma.local [hbm:s3], $0xF7A  }
0x26: {  	[smem:$0x3F9B] =	sst s1;
	(tag) =	ssettag s2;
	_ =	strace s9  }
0x27: {  	s1 =	sld [smem:$0x3FAB]  }
0x28: {  	s2 =	sld [smem:$0x3FAC]  }
0x29: {  	s4 =	sld [smem:$0x3FAE]  }
0x2a: {  	p0 =	seq.s32 s5, $0x0;
	s5 =	sld [smem:$0x3FAF]  }
0x2b: {  	s6 =	sld [smem:$0x3FB0]  }
0x2c: {  	s7 =	sld [smem:$0x3FB1]  }
0x2d: {  	s3 =	simm.s32 $0x108;
	s8 =	sld [smem:$0x3FB2]  }
0x2e: {  	s3 =	simm.s32 @!p0 $0x1082;
	s9 =	sld [smem:$0x3FB3]  }
0x2f: {  	lr =	sadd.s32 s0, s3;
	s0 =	sld [smem:$0x3FAA]  }
0x30: {  	s3 =	sld [smem:$0x3FAD]  }
0x31: {  	[smem:$0x3FB6] =	sst s10  }
0x32: {  	s10 =	sld [smem:$0x3FB4];
	_ =	sdelay $0x3  }
0x33: {  	p0 =	seq.s32 s10, $0x1;
	s10 =	sld [smem:$0x3FB6];
	_ =	sdelay $0x3  }
0x34: {  	[smem:$0x3FB6] =	sst s10  }
0x35: {  	s10 =	sld [smem:$0x3FB5];
	_ =	sdelay $0x3  }
0x36: {  	p1 =	seq.s32 s10, $0x1;
	s10 =	sld [smem:$0x3FB6];
	_ =	sdelay $0x3  }
0x37: {  	[smem:$0x3FB6] =	sst s10  }
0x38: {  	s10 =	sld [smem:$0x3FB7]  }
0x39: {  	_ = 	snop;
	(pc) =	sbr.ind lr, $3  }
0x3a: {  	_ = 	snop  }
0x3b: {  	_ = 	snop  }
0x3c: {  	p2 =	seq.s32 s10, $0x1;
	s10 =	sld [smem:$0x3FB6]  }
0x3d: {  	_ =	shalt  }
0x3e: {  	_ =	shalt  }
0x3f: {  	_ =	shalt  }
0x40: {  	_ =	shalt  }
0x41: {  	_ =	shalt  }
0x42: {  	_ =	shalt  }
0x43: {  	_ =	shalt  }
0x44: {  	_ =	shalt  }
0x45: {  	_ =	shalt  }
0x46: {  	_ =	shalt  }
0x47: {  	_ =	shalt  }
0x48: {  	_ =	shalt  }
0x49: {  	_ =	shalt  }
0x4a: {  	_ =	shalt  }
0x4b: {  	_ =	shalt  }
0x4c: {  	_ =	shalt  }
0x4d: {  	_ =	shalt  }
0x4e: {  	_ =	shalt  }
0x4f: {  	_ =	shalt  }
0x50: {  	_ =	shalt  }
0x51: {  	_ =	shalt  }
0x52: {  	_ =	shalt  }
0x53: {  	_ =	shalt  }
0x54: {  	_ =	shalt  }
0x55: {  	_ =	shalt  }
0x56: {  	_ =	shalt  }
0x57: {  	_ =	shalt  }
0x58: {  	_ =	shalt  }
0x59: {  	_ =	shalt  }
0x5a: {  	_ =	shalt  }
0x5b: {  	_ =	shalt  }
0x5c: {  	_ =	shalt  }
0x5d: {  	_ =	shalt  }
0x5e: {  	_ =	shalt  }
0x5f: {  	_ =	shalt  }
0x60: {  	_ =	shalt  }
0x61: {  	_ =	shalt  }
0x62: {  	_ =	shalt  }
0x63: {  	_ =	shalt  }
0x64: {  	_ =	shalt  }
0x65: {  	_ =	shalt  }
0x66: {  	_ =	shalt  }
0x67: {  	_ =	shalt  }
0x68: {  	_ =	shalt  }
0x69: {  	_ =	shalt  }
0x6a: {  	_ =	shalt  }
0x6b: {  	_ =	shalt  }
0x6c: {  	_ =	shalt  }
0x6d: {  	_ =	shalt  }
0x6e: {  	_ =	shalt  }
0x6f: {  	_ =	shalt  }
0x70: {  	_ =	shalt  }
0x71: {  	_ =	shalt  }
0x72: {  	_ =	shalt  }
0x73: {  	_ =	shalt  }
0x74: {  	_ =	shalt  }
0x75: {  	_ =	shalt  }
0x76: {  	_ =	shalt  }
0x77: {  	_ =	shalt  }
0x78: {  	_ =	shalt  }
0x79: {  	_ =	shalt  }
0x7a: {  	_ =	shalt  }
0x7b: {  	_ =	shalt  }
0x7c: {  	_ =	shalt  }
0x7d: {  	_ =	shalt  }
0x7e: {  	_ =	shalt  }
0x7f: {  	_ =	shalt  }
0x80: {  	_ =	shalt  }
0x81: {  	_ =	shalt  }
0x82: {  	_ =	shalt  }
0x83: {  	_ =	shalt  }
0x84: {  	_ =	shalt  }
0x85: {  	_ =	shalt  }
0x86: {  	_ =	shalt  }
0x87: {  	_ =	shalt  }
.Lfunc_end0:
.L_simem_size_0:
called_computation.1_lowered:
.L_overlay_start_0:
0x88: {  	s2 =	sld [smem:$0x3FD9]  }
0x89: {  	s3 =	sld [smem:$0x3FFE];
	_ =	sdelay $0x1  }
0x8a: {  	s1 =	srdreg.scid  }
0x8b: {  	s0 =	sand.u32 $0x1, s1  }
0x8c: {  	s16 =	sshll.u32 s0, $0xA;
	s2 =	sadd.s32 s3, s2  }
0x8d: {  	s2 =	sadd.s32 s2, s16  }
0x8e: {  	[smem:$0x3FC2] =	sst s2  }
0x8f: {  	_ = 	snop  }
0x90: {  	(tm) =	ssettm $0x1  }
0x91: {  	s17 =	sld [smem:$0x3FFB];
	_ =	sdelay $0x3  }
0x92: {  	_ =	strace s17  }
0x93: {  	s2 =	sld [smem:$0x3FFC];
	_ =	sdelay $0x3  }
0x94: {  	_ =	strace s2  }
0x95: {  	s2 =	sld [smem:$0x3FFD];
	_ =	sdelay $0x3  }
0x96: {  	_ =	strace s2  }
0x97: {  	_ =	strace $0x8FFFFFFF  }
0x98: {  	s18 =	sld [smem:$0x3FDB];
	_ =	sdelay $0x1  }
0x99: {  	s19 =	simm.s32 $_scs_section_size  }
0x9a: {  	s4 =	simm.s32 $_size__tile_overlayer_lowered;
	s5 =	simm.s32 $_tile_overlayer_lowered  }
0x9b: {  	s22 =	simm.s32 $0x1BFF;
	s21 =	sshll.u32 s5, $0x1;
	s2 =	sadd.s32 s19, s18  }
0x9c: {  	s6 =	simm.s32 $0x0;
	s20 =	sshll.u32 s4, $0x1;
	s4 =	sadd.s32 s21, s2  }
0x9d: {  	[timem:s6], [sflag:s22] =	dma.local [hbm:s4], s20  }
0x9e: {  	_ =	swait.ge [sflag:s22], s20  }
0x9f: {  	s3 =	ssub.s32 $0x0, s20;
	[sflag:s22] =	ssyncset.done $0x0  }
0xa0: {  	[sflag:s22] =	ssyncadd.s32 s3;
	_ =	sdelay $0x1  }
0xa1: {  	s23 =	simm.s32 $0x1B8B  }
0xa2: {  	_ =	swait.ge [sflag:s23], $0x1  }
0xa3: {  	[sflag:s23] =	ssyncset.done $0x0  }
0xa4: {  	s25 =	simm.s32 $0x1B8E;
	s24 =	sld [smem:$0x3FFE];
	[sflag:s23] =	ssyncadd.s32 $0xFFFFFFFF  }
0xa5: {  	s26 =	simm.s32 $execute0_lowered;
	[smem:$0x3FD2] =	sst s25  }
0xa6: {  	s4 =	sshll.u32 s26, $0x1;
	_ =	strace $0x80000049;
	[dreg:$0x1] =	wrdreg $0xFFFFFFFF  }
0xa7: {  	s28 =	simm.s32 $_size_execute0_lowered;
	s2 =	sadd.s32 s2, s4;
	[dreg:$0x0] =	wrdreg $0x0  }
0xa8: {  	s4 =	sshll.u32 s28, $0x1;
	[dreg:$0x2] =	wrdreg s2  }
0xa9: {  	[dreg:$0x3] =	wrdreg s4  }
0xaa: {  	[dreg:$0x4] =	wrdreg $0xC0  }
0xab: {  	_ =	task [dreg:s6], $0x5FFFF  }
0xac: {  	[dreg:$0x1] =	wrdreg $0xFFFFFFFF  }
0xad: {  	[dreg:$0x0] =	wrdreg $0x60  }
0xae: {  	[dreg:$0x2] =	wrdreg s24  }
0xaf: {  	[dreg:$0x3] =	wrdreg $0xCF800  }
0xb0: {  	[dreg:$0x4] =	wrdreg $0x9  }
0xb1: {  	_ =	task.clear_ibuf [dreg:s6], $0x5FFFF;
	_ =	strace $0x90000049  }
0xb2: {  	s29 =	simm.s32 $0x9;
	_ =	strace $0x8000004B  }
0xb3: {  	_ =	swait.ge [sflag:s29], $0x1  }
0xb4: {  	[sflag:s29] =	ssyncadd.s32 $0xFFFFFFFF  }
0xb5: {  	_ =	strace $0x9000004B  }
0xb6: {  	_ =	sfence  }
0xb7: {  	s30 =	sld [smem:$0x0];
	_ =	sdelay $0x2  }
0xb8: {  	s31 =	sshll.u32 s1, $0xD;
	s1 =	sshrl.u32 s1, $0x2  }
0xb9: {  	s3 =	sand.u32 $0x4000, s31;
	s1 =	sadd.s32 s1, s30  }
0xba: {  	s0 =	sor.u32 s3, s0;
	s1 =	sshll.u32 s1, $0x11  }
0xbb: {  	s0 =	sor.u32 s1, s0  }
0xbc: {  	s0 =	sadd.s32 $0x8F2B, s0  }
0xbd: {  	[sflag:s0] =	ssyncadd.remote.s32 $0x1  }
0xbe: {  	_ =	sfence.sel $0xFFFF  }
0xbf: {  	[dreg:$0x0] =	wrdreg $0xFFFFFFFF;
	(pc) =	sbr.abs _section_cstart, $3  }
0xc0: {  	[dreg:$0x1] =	wrdreg $0xFFFFFFFF  }
0xc1: {  	_ =	task.clear_ibuf [dreg:s6], $0x2FFFF;
	_ =	strace $0x9FFFFFFF  }
0xc2: {  	(tm) =	ssettm $0x7FFFFFFF  }
0xc3: {  	_ =	shalt  }
tec
execute0_lowered:
.L_overlay_start_1:
0x0: {  	(tag) =	ssettag $0x1  }
0x1: {  	s0 =	srdreg.scid;
	s1 =	rddreg [dreg:$0x0]  }
0x2: {  	s12 =	stileid.u32;
	s2 =	rddreg [dreg:$0x1];
	s13 =	simm.s32 $0x6  }
0x3: {  	s14 =	simm.s32 $0x2800;
	s18 =	simm.s32 $0x7D;
	s19 =	simm.s32 $0x5280  }
0x4: {  	s20 =	simm.s32 $0x80;
	s21 =	simm.s32 $0x71C0;
	s28 =	simm.s32 $0x2880  }
0x5: {  	s29 =	simm.s32 $0x180;
	s30 =	simm.s32 $0xB040;
	s31 =	simm.s32 $0x3  }
0x6: {  	s15 =	simm.s32 $0x4;
	s0 =	sand.u32 $0x1, s0;
	s7 =	smul.u32 $0xA000, s12  }
0x7: {  	s5 =	sadd.s32 $0x17600, s1;
	s10 =	smul.u32 $0x50, s12;
	s26 =	sshll.u32 s12, $0x6  }
0x8: {  	s3 =	sshll.u32 s0, $0x4;
	s8 =	smul.u32 $0xA0000, s0;
	s0 =	ssub.s32 $0x2, s0  }
0x9: {  	s16 =	sor.u32 $0x1C06, s26;
	s26 =	simm.s32 $0x5;
	s4 =	sor.u32 s12, s3  }
0xa: {  	s3 =	simm.s32 $0x0;
	s9 =	sshrl.u32 s7, $0x3;
	s11 =	sshrl.u32 s0, $0x1  }
0xb: {  	s10 =	sadd.s32 s10, s1;
	s24 =	sadd.s32 s7, s2;
	s6 =	smul.u32 $0x500, s4  }
0xc: {  	[smem:$0x7FF] =	sst s3;
	s4 =	sadd.s32 $0x2B000, s1;
	s8 =	sadd.s32 s7, s8  }
0xd: {  	s9 =	sadd.s32 s9, s1;
	s0 =	ssub.s32 s0, s11;
	s23 =	sadd.s32 $0x17000, s10  }
0xe: {  	s17 =	sshrl.u32 s24, $0x3;
	s24 =	simm.s32 $0x9100;
	s7 =	simm.s32 $0x280  }
0xf: {  	_ =	strace $0x8000004A;
	s8 =	sshrl.u32 s8, $0x3;
	[dreg:$0x5] =	wrdreg s23  }
0x10: {  	s9 =	sadd.s32 $0x3EA00, s9;
	s0 =	smax.u32 s0, $0x1;
	s6 =	sadd.s32 s6, s1  }
0x11: {  	s1 =	sadd.s32 s8, s1;
	[dreg:$0x8] =	wrdreg s0;
	s22 =	sadd.s32 $0xD000, s6  }
.Ltmp0:
0x12: {  	s6 =	sadd.s32 $0x3000, s6;
	[dreg:$0x3] =	wrdreg s22;
	(pc) =	sbr.rel .LBB2_1-.Ltmp0, $4  }
0x13: {  	s23 =	simm.s32 $0x100;
	s25 =	sadd.s32 $0x52A00, s1;
	[dreg:$0x4] =	wrdreg s6  }
0x14: {  	s0 =	simm.s32 $0x200;
	s1 =	sadd.s32 $0x7AA00, s1;
	[dreg:$0x6] =	wrdreg s25  }
0x15: {  	s8 =	simm.s32 $0x0;
	[dreg:$0x7] =	wrdreg s1;
	s22 =	simm.s32 $0x1  }
0x16: {  	s25 =	simm.s32 $0x2;
	s1 =	simm.s32 $0x2900;
	s6 =	simm.s32 $0x2980  }
.LBB2_7:
0x17: {  	_ =	swait.ge [sflag:s15], $0x1F40  }
0x18: {  	[sflag:s15] =	ssyncset.done $0x0  }
0x19: {  	[sflag:s15] =	ssyncadd.s32 $0xFFFFE0C0  }
0x1a: {  	_ =	swait.ge [sflag:s26], $0x1F40  }
0x1b: {  	[sflag:s26] =	ssyncset.done $0x0  }
0x1c: {  	s10 =	sadd.s32 $0x2B80, s11;
	[sflag:s26] =	ssyncadd.s32 $0xFFFFE0C0  }
0x1d: {  	[spmem:s2] =	stream.indirect.scatter.add.f32 [tilespmem:s30], [sflag:$0x5], $0x40, s10, s18, $0xb8;
	[tilespmem:$0x16F80] =	vst v63  }
0x1e: {  	_ =	swait.ge [sflag:s26], $0x1F40  }
0x1f: {  	[sflag:s26] =	ssyncset.done $0x0  }
0x20: {  	[sflag:s26] =	ssyncadd.s32 $0xFFFFE0C0  }
0x21: {  	[bflag:$0x0] =	sbarrier.arrive $0xFFFF  }
0x22: {  	s11 =	rddreg [dreg:$0x7]  }
0x23: {  	[hbm:s11], [sflag:s16] =	dma.local [spmem:s17], $0x1400  }
0x24: {  	_ =	swait.ge [sflag:s13], $0x1400  }
0x25: {  	s8 =	sadd.s32 $0x1, s8;
	s12 =	rddreg [dreg:$0x8]  }
0x26: {  	p0 =	sne.s32 s8, s12  }
.Ltmp1:
0x27: {  	_ = 	snop;
	(pc) =	sbr.rel @!p0 .LBB2_8-.Ltmp1, $3  }
0x28: {  	_ =	sdelay $0x1  }
0x29: {  	[sflag:s13] =	ssyncset.done $0x0  }
0x2a: {  	[sflag:s13] =	ssyncadd.s32 $0xFFFFEC00  }
.LBB2_1:
0x2b: {  	s10 =	rddreg [dreg:$0x3]  }
0x2c: {  	[tilespmem:s3], [sflag:$0x6] =	stream.linear.gather [hbm4b:s10+s3], $0x2800, $0x38;
	[tilespmem:$0x16F80] =	vst v63  }
0x2d: {  	_ =	swait.ge [sflag:s13], $0x2800  }
0x2e: {  	[sflag:s13] =	ssyncset.done $0x0  }
0x2f: {  	s11 =	rddreg [dreg:$0x4];
	[sflag:s13] =	ssyncadd.s32 $0xFFFFD800  }
0x30: {  	[tilespmem:s14], [sflag:$0x6] =	stream.linear.gather [hbm4b:s11+s3], $0x2800, $0x38;
	[tilespmem:$0x16F80] =	vst v63  }
0x31: {  	_ =	swait.ge [sflag:s13], $0x2800  }
0x32: {  	[sflag:s13] =	ssyncset.done $0x0  }
0x33: {  	s11 =	simm.s32 $0x5000;
	s12 =	rddreg [dreg:$0x5];
	[sflag:s13] =	ssyncadd.s32 $0xFFFFD800  }
0x34: {  	[tilespmem:s11], [sflag:$0x6] =	stream.linear.gather [hbm4b:s12+s3], $0x280, $0x38;
	[tilespmem:$0x16F80] =	vst v63  }
0x35: {  	_ =	swait.ge [sflag:s13], $0x280  }
0x36: {  	[sflag:s13] =	ssyncset.done $0x0  }
0x37: {  	[sflag:s13] =	ssyncadd.s32 $0xFFFFFD80  }
0x38: {  	[spmem:s17], [sflag:s16] =	dma.local [hbm:s9], $0x1400  }
0x39: {  	_ =	swait.ge [sflag:s13], $0x1400  }
0x3a: {  	[sflag:s13] =	ssyncset.done $0x0  }
0x3b: {  	[sflag:s13] =	ssyncadd.s32 $0xFFFFEC00  }
0x3c: {  	[bflag:$0x0] =	sbarrier.arrive $0xFFFF  }
0x3d: {  	[tilespmem:s19], [sflag:$0x1] =	stream.indirect.gather [hbm4b:s4+s18], $0x40, s3, s18, $0xb8;
	[tilespmem:$0x16F80] =	vst v63  }
0x3e: {  	_ = 	snop  }
0x3f: {  	[tilespmem:s21], [sflag:$0x2] =	stream.indirect.gather [hbm4b:s4+s18], $0x40, s20, s18, $0xb8;
	[tilespmem:$0x16F80] =	vst v63  }
0x40: {  	_ =	swait.ge [sflag:s22], $0x1F40  }
0x41: {  	[sflag:s22] =	ssyncset.done $0x0  }
0x42: {  	[sflag:s22] =	ssyncadd.s32 $0xFFFFE0C0  }
0x43: {  	[spmem:s2] =	stream.indirect.scatter.add.f32 [tilespmem:s19], [sflag:$0x5], $0x40, s14, s18, $0xb8;
	[tilespmem:$0x16F80] =	vst v63  }
0x44: {  	_ = 	snop  }
0x45: {  	[tilespmem:s24], [sflag:$0x3] =	stream.indirect.gather [hbm4b:s4+s18], $0x40, s23, s18, $0xb8;
	[tilespmem:$0x16F80] =	vst v63  }
0x46: {  	_ =	swait.ge [sflag:s25], $0x1F40  }
0x47: {  	[sflag:s25] =	ssyncset.done $0x0  }
0x48: {  	[sflag:s25] =	ssyncadd.s32 $0xFFFFE0C0  }
0x49: {  	_ =	swait.ge [sflag:s26], $0x1F40  }
0x4a: {  	[sflag:s26] =	ssyncset.done $0x0  }
0x4b: {  	[sflag:s26] =	ssyncadd.s32 $0xFFFFE0C0  }
0x4c: {  	[spmem:s2] =	stream.indirect.scatter.add.f32 [tilespmem:s21], [sflag:$0x5], $0x40, s28, s18, $0xb8;
	[tilespmem:$0x16F80] =	vst v63  }
0x4d: {  	_ = 	snop  }
0x4e: {  	[tilespmem:s30], [sflag:$0x4] =	stream.indirect.gather [hbm4b:s4+s18], $0x40, s29, s18, $0xb8;
	[tilespmem:$0x16F80] =	vst v63  }
0x4f: {  	_ =	swait.ge [sflag:s31], $0x1F40  }
0x50: {  	[sflag:s31] =	ssyncset.done $0x0  }
0x51: {  	[sflag:s31] =	ssyncadd.s32 $0xFFFFE0C0  }
0x52: {  	_ =	swait.ge [sflag:s26], $0x1F40  }
0x53: {  	[sflag:s26] =	ssyncset.done $0x0  }
0x54: {  	[sflag:s26] =	ssyncadd.s32 $0xFFFFE0C0  }
0x55: {  	[spmem:s2] =	stream.indirect.scatter.add.f32 [tilespmem:s24], [sflag:$0x5], $0x40, s1, s18, $0xb8;
	[tilespmem:$0x16F80] =	vst v63  }
0x56: {  	_ = 	snop  }
0x57: {  	[tilespmem:s19], [sflag:$0x1] =	stream.indirect.gather [hbm4b:s4+s18], $0x40, s0, s18, $0xb8;
	[tilespmem:$0x16F80] =	vst v63  }
0x58: {  	_ =	swait.ge [sflag:s15], $0x1F40  }
0x59: {  	[sflag:s15] =	ssyncset.done $0x0  }
0x5a: {  	[sflag:s15] =	ssyncadd.s32 $0xFFFFE0C0  }
0x5b: {  	_ =	swait.ge [sflag:s26], $0x1F40  }
0x5c: {  	[sflag:s26] =	ssyncset.done $0x0  }
0x5d: {  	[sflag:s26] =	ssyncadd.s32 $0xFFFFE0C0  }
0x5e: {  	[spmem:s2] =	stream.indirect.scatter.add.f32 [tilespmem:s30], [sflag:$0x5], $0x40, s6, s18, $0xb8;
	[tilespmem:$0x16F80] =	vst v63  }
0x5f: {  	s10 =	simm.s32 $0x0  }
0x60: {  	[tilespmem:s21], [sflag:$0x2] =	stream.indirect.gather [hbm4b:s4+s18], $0x40, s7, s18, $0xb8;
	[tilespmem:$0x16F80] =	vst v63  }
.LBB2_2:
0x61: {  	_ =	swait.ge [sflag:s22], $0x1F40  }
0x62: {  	[sflag:s22] =	ssyncset.done $0x0  }
0x63: {  	[sflag:s22] =	ssyncadd.s32 $0xFFFFE0C0  }
0x64: {  	_ =	swait.ge [sflag:s26], $0x1F40  }
0x65: {  	s11 =	sshra.s32 s10, $0x2;
	[sflag:s26] =	ssyncset.done $0x0  }
0x66: {  	s12 =	sadd.s32 $0x2A00, s11;
	[sflag:s26] =	ssyncadd.s32 $0xFFFFE0C0  }
0x67: {  	[spmem:s2] =	stream.indirect.scatter.add.f32 [tilespmem:s19], [sflag:$0x5], $0x40, s12, s18, $0xb8;
	[tilespmem:$0x16F80] =	vst v63  }
0x68: {  	s12 =	sadd.s32 $0x300, s11  }
0x69: {  	[tilespmem:s24], [sflag:$0x3] =	stream.indirect.gather [hbm4b:s4+s18], $0x40, s12, s18, $0xb8;
	[tilespmem:$0x16F80] =	vst v63  }
0x6a: {  	_ =	swait.ge [sflag:s25], $0x1F40  }
0x6b: {  	[sflag:s25] =	ssyncset.done $0x0  }
0x6c: {  	[sflag:s25] =	ssyncadd.s32 $0xFFFFE0C0  }
0x6d: {  	_ =	swait.ge [sflag:s26], $0x1F40  }
0x6e: {  	[sflag:s26] =	ssyncset.done $0x0  }
0x6f: {  	s12 =	sadd.s32 $0x2A80, s11;
	[sflag:s26] =	ssyncadd.s32 $0xFFFFE0C0  }
0x70: {  	[spmem:s2] =	stream.indirect.scatter.add.f32 [tilespmem:s21], [sflag:$0x5], $0x40, s12, s18, $0xb8;
	[tilespmem:$0x16F80] =	vst v63  }
0x71: {  	s12 =	sadd.s32 $0x380, s11  }
0x72: {  	[tilespmem:s30], [sflag:$0x4] =	stream.indirect.gather [hbm4b:s4+s18], $0x40, s12, s18, $0xb8;
	[tilespmem:$0x16F80] =	vst v63  }
0x73: {  	_ =	swait.ge [sflag:s31], $0x1F40  }
0x74: {  	p0 =	seq.s32 s10, $0x9000;
	[sflag:s31] =	ssyncset.done $0x0  }
.Ltmp2:
0x75: {  	[sflag:s31] =	ssyncadd.s32 $0xFFFFE0C0;
	(pc) =	sbr.rel @p0 .LBB2_4-.Ltmp2, $4  }
0x76: {  	_ =	swait.ge [sflag:s26], $0x1F40  }
0x77: {  	[sflag:s26] =	ssyncset.done $0x0  }
0x78: {  	s12 =	sadd.s32 $0x2B00, s11;
	[sflag:s26] =	ssyncadd.s32 $0xFFFFE0C0  }
0x79: {  	[spmem:s2] =	stream.indirect.scatter.add.f32 [tilespmem:s24], [sflag:$0x5], $0x40, s12, s18, $0xb8;
	[tilespmem:$0x16F80] =	vst v63  }
0x7a: {  	s12 =	sadd.s32 $0x400, s11  }
0x7b: {  	[tilespmem:s19], [sflag:$0x1] =	stream.indirect.gather [hbm4b:s4+s18], $0x40, s12, s18, $0xb8;
	[tilespmem:$0x16F80] =	vst v63  }
0x7c: {  	_ =	swait.ge [sflag:s15], $0x1F40  }
0x7d: {  	[sflag:s15] =	ssyncset.done $0x0  }
0x7e: {  	[sflag:s15] =	ssyncadd.s32 $0xFFFFE0C0  }
0x7f: {  	_ =	swait.ge [sflag:s26], $0x1F40  }
.Ltmp3:
0x80: {  	[sflag:s26] =	ssyncset.done $0x0;
	(pc) =	sbr.rel .LBB2_2-.Ltmp3, $4  }
0x81: {  	s12 =	sadd.s32 $0x2B80, s11;
	[sflag:s26] =	ssyncadd.s32 $0xFFFFE0C0  }
0x82: {  	[spmem:s2] =	stream.indirect.scatter.add.f32 [tilespmem:s30], [sflag:$0x5], $0x40, s12, s18, $0xb8;
	[tilespmem:$0x16F80] =	vst v63  }
0x83: {  	s10 =	sadd.s32 $0x800, s10;
	s12 =	sadd.s32 $0x480, s11  }
0x84: {  	[tilespmem:s21], [sflag:$0x2] =	stream.indirect.gather [hbm4b:s4+s18], $0x40, s12, s18, $0xb8;
	[tilespmem:$0x16F80] =	vst v63  }
.LBB2_4:
0x85: {  	_ =	swait.ge [sflag:s15], $0x1F40  }
0x86: {  	[sflag:s15] =	ssyncset.done $0x0  }
0x87: {  	[sflag:s15] =	ssyncadd.s32 $0xFFFFE0C0  }
0x88: {  	_ =	swait.ge [sflag:s26], $0x1F40  }
0x89: {  	[sflag:s26] =	ssyncset.done $0x0  }
0x8a: {  	s10 =	sadd.s32 $0x2B80, s11;
	[sflag:s26] =	ssyncadd.s32 $0xFFFFE0C0  }
0x8b: {  	[spmem:s2] =	stream.indirect.scatter.add.f32 [tilespmem:s30], [sflag:$0x5], $0x40, s10, s18, $0xb8;
	[tilespmem:$0x16F80] =	vst v63  }
0x8c: {  	_ =	swait.ge [sflag:s26], $0x1F40  }
0x8d: {  	[sflag:s26] =	ssyncset.done $0x0  }
0x8e: {  	[sflag:s26] =	ssyncadd.s32 $0xFFFFE0C0  }
0x8f: {  	[bflag:$0x0] =	sbarrier.arrive $0xFFFF  }
0x90: {  	s12 =	rddreg [dreg:$0x6]  }
0x91: {  	[hbm:s12], [sflag:s16] =	dma.local [spmem:s17], $0x1400  }
0x92: {  	_ =	swait.ge [sflag:s13], $0x1400  }
0x93: {  	[sflag:s13] =	ssyncset.done $0x0  }
0x94: {  	[sflag:s13] =	ssyncadd.s32 $0xFFFFEC00  }
0x95: {  	[spmem:s17], [sflag:s16] =	dma.local [hbm:s9], $0x1400  }
0x96: {  	_ =	swait.ge [sflag:s13], $0x1400  }
0x97: {  	[sflag:s13] =	ssyncset.done $0x0  }
0x98: {  	[sflag:s13] =	ssyncadd.s32 $0xFFFFEC00  }
0x99: {  	s10 =	simm.s32 $0x0;
	[bflag:$0x0] =	sbarrier.arrive $0xFFFF  }
0x9a: {  	[tilespmem:s19], [sflag:$0x1] =	stream.indirect.gather [hbm4b:s5+s18], $0x40, s10, s18, $0xb8;
	[tilespmem:$0x16F80] =	vst v63  }
0x9b: {  	_ = 	snop  }
0x9c: {  	[tilespmem:s21], [sflag:$0x2] =	stream.indirect.gather [hbm4b:s5+s18], $0x40, s20, s18, $0xb8;
	[tilespmem:$0x16F80] =	vst v63  }
0x9d: {  	_ =	swait.ge [sflag:s22], $0x1F40  }
0x9e: {  	[sflag:s22] =	ssyncset.done $0x0  }
0x9f: {  	[sflag:s22] =	ssyncadd.s32 $0xFFFFE0C0  }
0xa0: {  	[spmem:s2] =	stream.indirect.scatter.add.f32 [tilespmem:s19], [sflag:$0x5], $0x40, s14, s18, $0xb8;
	[tilespmem:$0x16F80] =	vst v63  }
0xa1: {  	_ = 	snop  }
0xa2: {  	[tilespmem:s24], [sflag:$0x3] =	stream.indirect.gather [hbm4b:s5+s18], $0x40, s23, s18, $0xb8;
	[tilespmem:$0x16F80] =	vst v63  }
0xa3: {  	_ =	swait.ge [sflag:s25], $0x1F40  }
0xa4: {  	[sflag:s25] =	ssyncset.done $0x0  }
0xa5: {  	[sflag:s25] =	ssyncadd.s32 $0xFFFFE0C0  }
0xa6: {  	_ =	swait.ge [sflag:s26], $0x1F40  }
0xa7: {  	[sflag:s26] =	ssyncset.done $0x0  }
0xa8: {  	[sflag:s26] =	ssyncadd.s32 $0xFFFFE0C0  }
0xa9: {  	[spmem:s2] =	stream.indirect.scatter.add.f32 [tilespmem:s21], [sflag:$0x5], $0x40, s28, s18, $0xb8;
	[tilespmem:$0x16F80] =	vst v63  }
0xaa: {  	_ = 	snop  }
0xab: {  	[tilespmem:s30], [sflag:$0x4] =	stream.indirect.gather [hbm4b:s5+s18], $0x40, s29, s18, $0xb8;
	[tilespmem:$0x16F80] =	vst v63  }
0xac: {  	_ =	swait.ge [sflag:s31], $0x1F40  }
0xad: {  	[sflag:s31] =	ssyncset.done $0x0  }
0xae: {  	[sflag:s31] =	ssyncadd.s32 $0xFFFFE0C0  }
0xaf: {  	_ =	swait.ge [sflag:s26], $0x1F40  }
0xb0: {  	[sflag:s26] =	ssyncset.done $0x0  }
0xb1: {  	[sflag:s26] =	ssyncadd.s32 $0xFFFFE0C0  }
0xb2: {  	[spmem:s2] =	stream.indirect.scatter.add.f32 [tilespmem:s24], [sflag:$0x5], $0x40, s1, s18, $0xb8;
	[tilespmem:$0x16F80] =	vst v63  }
0xb3: {  	_ = 	snop  }
0xb4: {  	[tilespmem:s19], [sflag:$0x1] =	stream.indirect.gather [hbm4b:s5+s18], $0x40, s0, s18, $0xb8;
	[tilespmem:$0x16F80] =	vst v63  }
0xb5: {  	_ =	swait.ge [sflag:s15], $0x1F40  }
0xb6: {  	[sflag:s15] =	ssyncset.done $0x0  }
0xb7: {  	[sflag:s15] =	ssyncadd.s32 $0xFFFFE0C0  }
0xb8: {  	_ =	swait.ge [sflag:s26], $0x1F40  }
0xb9: {  	[sflag:s26] =	ssyncset.done $0x0  }
0xba: {  	[sflag:s26] =	ssyncadd.s32 $0xFFFFE0C0  }
0xbb: {  	[spmem:s2] =	stream.indirect.scatter.add.f32 [tilespmem:s30], [sflag:$0x5], $0x40, s6, s18, $0xb8;
	[tilespmem:$0x16F80] =	vst v63  }
0xbc: {  	_ = 	snop  }
0xbd: {  	[tilespmem:s21], [sflag:$0x2] =	stream.indirect.gather [hbm4b:s5+s18], $0x40, s7, s18, $0xb8;
	[tilespmem:$0x16F80] =	vst v63  }
.LBB2_5:
0xbe: {  	_ =	swait.ge [sflag:s22], $0x1F40  }
0xbf: {  	[sflag:s22] =	ssyncset.done $0x0  }
0xc0: {  	[sflag:s22] =	ssyncadd.s32 $0xFFFFE0C0  }
0xc1: {  	_ =	swait.ge [sflag:s26], $0x1F40  }
0xc2: {  	s11 =	sshra.s32 s10, $0x2;
	[sflag:s26] =	ssyncset.done $0x0  }
0xc3: {  	s12 =	sadd.s32 $0x2A00, s11;
	[sflag:s26] =	ssyncadd.s32 $0xFFFFE0C0  }
0xc4: {  	[spmem:s2] =	stream.indirect.scatter.add.f32 [tilespmem:s19], [sflag:$0x5], $0x40, s12, s18, $0xb8;
	[tilespmem:$0x16F80] =	vst v63  }
0xc5: {  	s12 =	sadd.s32 $0x300, s11  }
0xc6: {  	[tilespmem:s24], [sflag:$0x3] =	stream.indirect.gather [hbm4b:s5+s18], $0x40, s12, s18, $0xb8;
	[tilespmem:$0x16F80] =	vst v63  }
0xc7: {  	_ =	swait.ge [sflag:s25], $0x1F40  }
0xc8: {  	[sflag:s25] =	ssyncset.done $0x0  }
0xc9: {  	[sflag:s25] =	ssyncadd.s32 $0xFFFFE0C0  }
0xca: {  	_ =	swait.ge [sflag:s26], $0x1F40  }
0xcb: {  	[sflag:s26] =	ssyncset.done $0x0  }
0xcc: {  	s12 =	sadd.s32 $0x2A80, s11;
	[sflag:s26] =	ssyncadd.s32 $0xFFFFE0C0  }
0xcd: {  	[spmem:s2] =	stream.indirect.scatter.add.f32 [tilespmem:s21], [sflag:$0x5], $0x40, s12, s18, $0xb8;
	[tilespmem:$0x16F80] =	vst v63  }
0xce: {  	s12 =	sadd.s32 $0x380, s11  }
0xcf: {  	[tilespmem:s30], [sflag:$0x4] =	stream.indirect.gather [hbm4b:s5+s18], $0x40, s12, s18, $0xb8;
	[tilespmem:$0x16F80] =	vst v63  }
0xd0: {  	_ =	swait.ge [sflag:s31], $0x1F40  }
0xd1: {  	p0 =	seq.s32 s10, $0x9000;
	[sflag:s31] =	ssyncset.done $0x0  }
.Ltmp4:
0xd2: {  	[sflag:s31] =	ssyncadd.s32 $0xFFFFE0C0;
	(pc) =	sbr.rel @p0 .LBB2_7-.Ltmp4, $4  }
0xd3: {  	_ =	swait.ge [sflag:s26], $0x1F40  }
0xd4: {  	[sflag:s26] =	ssyncset.done $0x0  }
0xd5: {  	s12 =	sadd.s32 $0x2B00, s11;
	[sflag:s26] =	ssyncadd.s32 $0xFFFFE0C0  }
0xd6: {  	[spmem:s2] =	stream.indirect.scatter.add.f32 [tilespmem:s24], [sflag:$0x5], $0x40, s12, s18, $0xb8;
	[tilespmem:$0x16F80] =	vst v63  }
0xd7: {  	s12 =	sadd.s32 $0x400, s11  }
0xd8: {  	[tilespmem:s19], [sflag:$0x1] =	stream.indirect.gather [hbm4b:s5+s18], $0x40, s12, s18, $0xb8;
	[tilespmem:$0x16F80] =	vst v63  }
0xd9: {  	_ =	swait.ge [sflag:s15], $0x1F40  }
0xda: {  	[sflag:s15] =	ssyncset.done $0x0  }
0xdb: {  	[sflag:s15] =	ssyncadd.s32 $0xFFFFE0C0  }
0xdc: {  	_ =	swait.ge [sflag:s26], $0x1F40  }
.Ltmp5:
0xdd: {  	[sflag:s26] =	ssyncset.done $0x0;
	(pc) =	sbr.rel .LBB2_5-.Ltmp5, $4  }
0xde: {  	s12 =	sadd.s32 $0x2B80, s11;
	[sflag:s26] =	ssyncadd.s32 $0xFFFFE0C0  }
0xdf: {  	[spmem:s2] =	stream.indirect.scatter.add.f32 [tilespmem:s30], [sflag:$0x5], $0x40, s12, s18, $0xb8;
	[tilespmem:$0x16F80] =	vst v63  }
0xe0: {  	s10 =	sadd.s32 $0x800, s10;
	s12 =	sadd.s32 $0x480, s11  }
0xe1: {  	[tilespmem:s21], [sflag:$0x2] =	stream.indirect.gather [hbm4b:s5+s18], $0x40, s12, s18, $0xb8;
	[tilespmem:$0x16F80] =	vst v63  }
.LBB2_8:
0xe2: {  	_ =	sfence.sel $0x180000  }
0xe3: {  	[bflag:$0x0] =	sbarrier.arrive $0xFFFF  }
0xe4: {  	_ =	strace $0x9000004A  }
0xe5: {  	s0 =	stileid.u32;
	[bflag:$0x2] =	sbarrier.arrive $0xFFFF  }
0xe6: {  	p0 =	sne.s32 s0, $0x0;
	s0 =	rddreg [dreg:$0x2]  }
0xe7: {  	s0 =	sadd.s32 @!p0 $0x100000, s0  }
0xe8: {  	[sflag:s0] =	ssyncadd.tile.s32 @!p0 $0x1;
	_ =	shalt  }
.Lfunc_end2:
_tile_overlayer_lowered:
.L_overlay_start_2:
0xe9: {  	(tag) =	ssettag $0x2  }
0xea: {  	s0 =	rddreg [dreg:$0x0];
	s2 =	stileid.u32  }
0xeb: {  	s1 =	rddreg [dreg:$0x1];
	p0 =	sne.s32 s2, $0x0  }
0xec: {  	s3 =	rddreg [dreg:$0x2];
	[bflag:$0x3] =	sbarrier.arrive $0xFFFF;
	s2 =	simm.s32 @!p0 $0x1C06  }
0xed: {  	[timem:s3], [sflag:s2] =	dma.local @!p0 [hbm:s0], s1  }
0xee: {  	s0 =	simm.s32 @!p0 $0x6  }
0xef: {  	_ =	swait.ge @!p0 [sflag:s0], s1  }
0xf0: {  	s1 =	ssub.s32 @!p0 $0x0, s1;
	[sflag:s0] =	ssyncset.done @!p0 $0x0  }
0xf1: {  	[sflag:s0] =	ssyncadd.s32 @!p0 s1  }
0xf2: {  	[bflag:$0x3] =	sbarrier.arrive $0xFFFF  }
0xf3: {  	_ =	shalt  }

// kernel: kernel.15.cloned.1.call-start
scs
__scs_entry_jumppad:
0x0: {  	(pc) =	sbr.rel $0x88, $3  }
0x1: {  	(tag) =	ssettag $0x0;
	lr =	simm.s32 $0x1  }
0x2: {  	[smem:$0x3F9B] =	sst lr;
	_ =	strace $0xD0000000  }
0x3: {  	_ = 	snop  }
0x4: {  	_ = 	snop  }
0x5: {  	_ = 	snop  }
0x6: {  	_ = 	snop  }
0x7: {  	_ = 	snop  }
__scs_overlays_trampoline_lowered:
0x8: {  	[smem:$0x3FAA] =	sst s0  }
0x9: {  	[smem:$0x3FAB] =	sst s1  }
0xa: {  	[smem:$0x3FAC] =	sst s2  }
0xb: {  	[smem:$0x3FAD] =	sst s3  }
0xc: {  	[smem:$0x3FAE] =	sst s4  }
0xd: {  	[smem:$0x3FAF] =	sst s5  }
0xe: {  	[smem:$0x3FB0] =	sst s6  }
0xf: {  	[smem:$0x3FB1] =	sst s7  }
0x10: {  	[smem:$0x3FB2] =	sst s8  }
0x11: {  	[smem:$0x3FB3] =	sst s9;
	s0 =	simm.s32 @!p0 $0x0  }
0x12: {  	s1 =	sld [smem:$0x3F99];
	s0 =	simm.s32 @p0 $0x1  }
0x13: {  	[smem:$0x3FB4] =	sst s0;
	s0 =	simm.s32 @!p1 $0x0  }
0x14: {  	s2 =	sld [smem:$0x3F98];
	s0 =	simm.s32 @p1 $0x1  }
0x15: {  	[smem:$0x3FB5] =	sst s0;
	s0 =	simm.s32 @!p2 $0x0  }
0x16: {  	s3 =	sld [smem:$0x3FDB];
	s0 =	simm.s32 @p2 $0x1  }
0x17: {  	s4 =	simm.s32 $0x1BF5;
	[smem:$0x3FB7] =	sst s0  }
0x18: {  	s0 =	sld [smem:$0x3F9A];
	_ =	swait.ge [sflag:s4], $0x0  }
0x19: {  	s7 =	sld [smem:$0x3F9B]  }
0x1a: {  	s8 =	sadd.s32 $0xFFFFE003, lr  }
0x1b: {  	s9 =	sadd.s32 $0xFFFFFEF7, lr;
	s5 =	simm.s32 $0xFFFFFFFF;
	p2 =	slt.u32 s8, $0xFFFFF086  }
0x1c: {  	p1 =	slt.u32 s9, $0xF7A;
	s5 =	simm.s32 @!p2 $0x0  }
0x1d: {  	s5 =	simm.s32 @p1 $0x1;
	p0 =	seq.s32 s7, s2  }
0x1e: {  	s7 =	smul.u32 @!p0 $0xF7A, s2;
	p2 =	seq.s32 @!p0 s5, $0x0  }
0x1f: {  	s9 =	smul.u32 $0xF7A, s1;
	s8 =	simm.s32 @!p0 $0x1BF5;
	p2 =	por !p2, p0  }
0x20: {  	[sflag:s8] =	ssyncset.s32 @!p0 $0xFFFFF086;
	s6 =	sadd.s32 @!p0 s3, s7;
	s7 =	simm.s32 @!p0 $0x108  }
0x21: {  	s3 =	sadd.s32 s3, s9;
	s6 =	sadd.s32 @!p0 $0x88, s6;
	s7 =	simm.s32 @p2 $0x1082  }
0x22: {  	[simem:s7], [sflag:s8] =	dma.local @!p0 [hbm:s6], $0xF7A  }
0x23: {  	s9 =	sor.u32 $0xD0000000, s2;
	s6 =	simm.s32 $0x108;
	_ =	swait.ge @!p0 [sflag:s8], $0x0  }
0x24: {  	s3 =	sadd.s32 $0x88, s3;
	s6 =	simm.s32 @!p1 $0x1082;
	[sflag:s4] =	ssyncset.s32 $0xFFFFF086  }
0x25: {  	[simem:s6], [sflag:s4] =	dma.local [hbm:s3], $0xF7A  }
0x26: {  	[smem:$0x3F9B] =	sst s1;
	(tag) =	ssettag s2;
	_ =	strace s9  }
0x27: {  	s1 =	sld [smem:$0x3FAB]  }
0x28: {  	s2 =	sld [smem:$0x3FAC]  }
0x29: {  	s4 =	sld [smem:$0x3FAE]  }
0x2a: {  	p0 =	seq.s32 s5, $0x0;
	s5 =	sld [smem:$0x3FAF]  }
0x2b: {  	s6 =	sld [smem:$0x3FB0]  }
0x2c: {  	s7 =	sld [smem:$0x3FB1]  }
0x2d: {  	s3 =	simm.s32 $0x108;
	s8 =	sld [smem:$0x3FB2]  }
0x2e: {  	s3 =	simm.s32 @!p0 $0x1082;
	s9 =	sld [smem:$0x3FB3]  }
0x2f: {  	lr =	sadd.s32 s0, s3;
	s0 =	sld [smem:$0x3FAA]  }
0x30: {  	s3 =	sld [smem:$0x3FAD]  }
0x31: {  	[smem:$0x3FB6] =	sst s10  }
0x32: {  	s10 =	sld [smem:$0x3FB4];
	_ =	sdelay $0x3  }
0x33: {  	p0 =	seq.s32 s10, $0x1;
	s10 =	sld [smem:$0x3FB6];
	_ =	sdelay $0x3  }
0x34: {  	[smem:$0x3FB6] =	sst s10  }
0x35: {  	s10 =	sld [smem:$0x3FB5];
	_ =	sdelay $0x3  }
0x36: {  	p1 =	seq.s32 s10, $0x1;
	s10 =	sld [smem:$0x3FB6];
	_ =	sdelay $0x3  }
0x37: {  	[smem:$0x3FB6] =	sst s10  }
0x38: {  	s10 =	sld [smem:$0x3FB7]  }
0x39: {  	_ = 	snop;
	(pc) =	sbr.ind lr, $3  }
0x3a: {  	_ = 	snop  }
0x3b: {  	_ = 	snop  }
0x3c: {  	p2 =	seq.s32 s10, $0x1;
	s10 =	sld [smem:$0x3FB6]  }
0x3d: {  	_ =	shalt  }
0x3e: {  	_ =	shalt  }
0x3f: {  	_ =	shalt  }
0x40: {  	_ =	shalt  }
0x41: {  	_ =	shalt  }
0x42: {  	_ =	shalt  }
0x43: {  	_ =	shalt  }
0x44: {  	_ =	shalt  }
0x45: {  	_ =	shalt  }
0x46: {  	_ =	shalt  }
0x47: {  	_ =	shalt  }
0x48: {  	_ =	shalt  }
0x49: {  	_ =	shalt  }
0x4a: {  	_ =	shalt  }
0x4b: {  	_ =	shalt  }
0x4c: {  	_ =	shalt  }
0x4d: {  	_ =	shalt  }
0x4e: {  	_ =	shalt  }
0x4f: {  	_ =	shalt  }
0x50: {  	_ =	shalt  }
0x51: {  	_ =	shalt  }
0x52: {  	_ =	shalt  }
0x53: {  	_ =	shalt  }
0x54: {  	_ =	shalt  }
0x55: {  	_ =	shalt  }
0x56: {  	_ =	shalt  }
0x57: {  	_ =	shalt  }
0x58: {  	_ =	shalt  }
0x59: {  	_ =	shalt  }
0x5a: {  	_ =	shalt  }
0x5b: {  	_ =	shalt  }
0x5c: {  	_ =	shalt  }
0x5d: {  	_ =	shalt  }
0x5e: {  	_ =	shalt  }
0x5f: {  	_ =	shalt  }
0x60: {  	_ =	shalt  }
0x61: {  	_ =	shalt  }
0x62: {  	_ =	shalt  }
0x63: {  	_ =	shalt  }
0x64: {  	_ =	shalt  }
0x65: {  	_ =	shalt  }
0x66: {  	_ =	shalt  }
0x67: {  	_ =	shalt  }
0x68: {  	_ =	shalt  }
0x69: {  	_ =	shalt  }
0x6a: {  	_ =	shalt  }
0x6b: {  	_ =	shalt  }
0x6c: {  	_ =	shalt  }
0x6d: {  	_ =	shalt  }
0x6e: {  	_ =	shalt  }
0x6f: {  	_ =	shalt  }
0x70: {  	_ =	shalt  }
0x71: {  	_ =	shalt  }
0x72: {  	_ =	shalt  }
0x73: {  	_ =	shalt  }
0x74: {  	_ =	shalt  }
0x75: {  	_ =	shalt  }
0x76: {  	_ =	shalt  }
0x77: {  	_ =	shalt  }
0x78: {  	_ =	shalt  }
0x79: {  	_ =	shalt  }
0x7a: {  	_ =	shalt  }
0x7b: {  	_ =	shalt  }
0x7c: {  	_ =	shalt  }
0x7d: {  	_ =	shalt  }
0x7e: {  	_ =	shalt  }
0x7f: {  	_ =	shalt  }
0x80: {  	_ =	shalt  }
0x81: {  	_ =	shalt  }
0x82: {  	_ =	shalt  }
0x83: {  	_ =	shalt  }
0x84: {  	_ =	shalt  }
0x85: {  	_ =	shalt  }
0x86: {  	_ =	shalt  }
0x87: {  	_ =	shalt  }
.Lfunc_end0:
.L_simem_size_0:
called_computation.2_lowered:
.L_overlay_start_0:
0x88: {  	s2 =	sld [smem:$0x3FD9]  }
0x89: {  	s3 =	sld [smem:$0x3FFE];
	_ =	sdelay $0x1  }
0x8a: {  	s1 =	srdreg.scid  }
0x8b: {  	s0 =	sand.u32 $0x1, s1  }
0x8c: {  	s17 =	sshll.u32 s0, $0xA;
	s2 =	sadd.s32 s3, s2  }
0x8d: {  	s2 =	sadd.s32 s2, s17  }
0x8e: {  	[smem:$0x3FC2] =	sst s2  }
0x8f: {  	_ = 	snop  }
0x90: {  	s2 =	sld [smem:$0x3FD0];
	(tm) =	ssettm $0x1  }
0x91: {  	s18 =	sld [smem:$0x3FFB];
	_ =	sdelay $0x3  }
0x92: {  	_ =	strace s18  }
0x93: {  	s3 =	sld [smem:$0x3FFC];
	_ =	sdelay $0x3  }
0x94: {  	_ =	strace s3  }
0x95: {  	s3 =	sld [smem:$0x3FFD];
	_ =	sdelay $0x3  }
0x96: {  	_ =	strace s3  }
0x97: {  	_ =	strace $0x8FFFFFFF  }
0x98: {  	s19 =	sld [smem:$0x3FDB];
	_ =	sdelay $0x1  }
0x99: {  	s4 =	simm.s32 $_scs_section_size  }
0x9a: {  	s5 =	simm.s32 $_size__tile_overlayer_lowered;
	s6 =	simm.s32 $_tile_overlayer_lowered  }
0x9b: {  	s22 =	simm.s32 $0x1BFF;
	s21 =	sshll.u32 s6, $0x1;
	s3 =	sadd.s32 s4, s19  }
0x9c: {  	s7 =	simm.s32 $0x0;
	s20 =	sshll.u32 s5, $0x1;
	s5 =	sadd.s32 s21, s3  }
0x9d: {  	[timem:s7], [sflag:s22] =	dma.local [hbm:s5], s20  }
0x9e: {  	_ =	swait.ge [sflag:s22], s20  }
0x9f: {  	s4 =	ssub.s32 $0x0, s20;
	[sflag:s22] =	ssyncset.done $0x0  }
0xa0: {  	[sflag:s22] =	ssyncadd.s32 s4;
	_ =	sdelay $0x1  }
0xa1: {  	s23 =	simm.s32 $0x1B8B  }
0xa2: {  	_ =	swait.ge [sflag:s23], $0x1  }
0xa3: {  	[sflag:s23] =	ssyncset.done $0x0  }
0xa4: {  	s25 =	simm.s32 $0x1B8E;
	s24 =	sld [smem:$0x3FFE];
	[sflag:s23] =	ssyncadd.s32 $0xFFFFFFFF  }
0xa5: {  	s26 =	simm.s32 $execute0_lowered;
	[smem:$0x3FD2] =	sst s25  }
0xa6: {  	s5 =	sshll.u32 s26, $0x1;
	_ =	strace $0x8000004C;
	[dreg:$0x1] =	wrdreg $0xFFFFFFFF  }
0xa7: {  	s28 =	simm.s32 $_size_execute0_lowered;
	s3 =	sadd.s32 s3, s5;
	[dreg:$0x0] =	wrdreg $0x0  }
0xa8: {  	s5 =	sshll.u32 s28, $0x1;
	[dreg:$0x2] =	wrdreg s3  }
0xa9: {  	[dreg:$0x3] =	wrdreg s5  }
0xaa: {  	[dreg:$0x4] =	wrdreg $0xC0  }
0xab: {  	_ =	task [dreg:s7], $0x5FFFF  }
0xac: {  	[dreg:$0x1] =	wrdreg $0xFFFFFFFF  }
0xad: {  	[dreg:$0x0] =	wrdreg $0x60  }
0xae: {  	[dreg:$0x2] =	wrdreg s2  }
0xaf: {  	[dreg:$0x3] =	wrdreg s24  }
0xb0: {  	[dreg:$0x4] =	wrdreg $0xA0A00  }
0xb1: {  	[dreg:$0x5] =	wrdreg $0x9  }
0xb2: {  	_ =	task.clear_ibuf [dreg:s7], $0x6FFFF;
	_ =	strace $0x9000004C  }
0xb3: {  	s29 =	simm.s32 $0x9;
	_ =	strace $0x8000004E  }
0xb4: {  	_ =	swait.ge [sflag:s29], $0x1  }
0xb5: {  	[sflag:s29] =	ssyncadd.s32 $0xFFFFFFFF  }
0xb6: {  	_ =	strace $0x9000004E  }
0xb7: {  	_ =	sfence  }
0xb8: {  	s30 =	sld [smem:$0x0];
	_ =	sdelay $0x2  }
0xb9: {  	s31 =	sshll.u32 s1, $0xD;
	s1 =	sshrl.u32 s1, $0x2  }
0xba: {  	s3 =	sand.u32 $0x4000, s31;
	s1 =	sadd.s32 s1, s30  }
0xbb: {  	s0 =	sor.u32 s3, s0;
	s1 =	sshll.u32 s1, $0x11  }
0xbc: {  	s0 =	sor.u32 s1, s0  }
0xbd: {  	s0 =	sadd.s32 $0x8F2B, s0  }
0xbe: {  	[sflag:s0] =	ssyncadd.remote.s32 $0x1  }
0xbf: {  	_ =	sfence.sel $0xFFFF  }
0xc0: {  	[dreg:$0x0] =	wrdreg $0xFFFFFFFF;
	(pc) =	sbr.abs _section_cstart, $3  }
0xc1: {  	[dreg:$0x1] =	wrdreg $0xFFFFFFFF  }
0xc2: {  	_ =	task.clear_ibuf [dreg:s7], $0x2FFFF;
	_ =	strace $0x9FFFFFFF  }
0xc3: {  	(tm) =	ssettm $0x7FFFFFFF  }
tec
execute0_lowered:
.L_overlay_start_1:
0x0: {  	(tag) =	ssettag $0x1  }
0x1: {  	s1 =	rddreg [dreg:$0x0]  }
0x2: {  	s0 =	srdreg.scid;
	s5 =	rddreg [dreg:$0x1]  }
0x3: {  	s13 =	stileid.u32;
	s3 =	rddreg [dreg:$0x2]  }
0x4: {  	s4 =	simm.s32 $0x0;
	s11 =	simm.s32 $0x6;
	s12 =	simm.s32 $0x2800  }
0x5: {  	s16 =	simm.s32 $0x7D;
	s17 =	simm.s32 $0x5280;
	s19 =	simm.s32 $0x6608  }
0x6: {  	s20 =	simm.s32 $0x1;
	s28 =	simm.s32 $0x8D18;
	s29 =	simm.s32 $0x3  }
0x7: {  	s30 =	simm.s32 $0x2900;
	s31 =	simm.s32 $0x200;
	s18 =	simm.s32 $0x0  }
0x8: {  	s0 =	sand.u32 $0x1, s0;
	s8 =	smul.u32 $0x6400, s13;
	[smem:$0x7FF] =	sst s4  }
0x9: {  	s9 =	smul.u32 $0x50, s13;
	s26 =	sshll.u32 s13, $0x6;
	s2 =	sshll.u32 s0, $0x4  }
0xa: {  	s6 =	smul.u32 $0x64000, s0;
	_ =	strace $0x8000004D;
	s0 =	ssub.s32 $0x2, s0  }
0xb: {  	s14 =	sor.u32 $0x1C06, s26;
	s2 =	sor.u32 s13, s2;
	s7 =	sshrl.u32 s8, $0x3  }
0xc: {  	s22 =	sadd.s32 s9, s5;
	s24 =	sshrl.u32 s0, $0x1;
	s25 =	sadd.s32 s8, s3  }
0xd: {  	s13 =	simm.s32 $0x280;
	s2 =	smul.u32 $0x500, s2;
	s6 =	sadd.s32 s8, s6  }
0xe: {  	s10 =	sadd.s32 s7, s5;
	s0 =	ssub.s32 s0, s24;
	s7 =	sadd.s32 $0x17000, s22  }
.Ltmp0:
0xf: {  	s15 =	sshrl.u32 s25, $0x3;
	s22 =	simm.s32 $0x7990;
	(pc) =	sbr.rel .LBB2_1-.Ltmp0, $4  }
0x10: {  	s24 =	simm.s32 $0x5;
	s6 =	sshrl.u32 s6, $0x3;
	s8 =	sadd.s32 $0x17600, s10  }
0x11: {  	s10 =	smax.u32 s0, $0x1;
	s0 =	simm.s32 $0x2980;
	s2 =	sadd.s32 s2, s5  }
0x12: {  	s23 =	sadd.s32 s6, s5;
	s5 =	sadd.s32 $0xD000, s2;
	s6 =	sadd.s32 $0x3000, s2  }
0x13: {  	s9 =	sadd.s32 $0x23E00, s23;
	s23 =	simm.s32 $0x2;
	s2 =	simm.s32 $0x4  }
.LBB2_4:
0x14: {  	_ =	swait.ge [sflag:s2], $0x1388  }
0x15: {  	[sflag:s2] =	ssyncset.done $0x0  }
0x16: {  	[sflag:s2] =	ssyncadd.s32 $0xFFFFEC78  }
0x17: {  	_ =	swait.ge [sflag:s24], $0x1388  }
0x18: {  	[sflag:s24] =	ssyncset.done $0x0  }
0x19: {  	s21 =	sadd.s32 $0x2B80, s25;
	[sflag:s24] =	ssyncadd.s32 $0xFFFFEC78  }
0x1a: {  	[spmem:s3] =	stream.indirect.scatter.add.f32 [tilespmem:s28], [sflag:$0x5], $0x28, s21, s16, $0xb8;
	[tilespmem:$0x104A0] =	vst v63  }
0x1b: {  	_ =	swait.ge [sflag:s24], $0x1388  }
0x1c: {  	s18 =	sadd.s32 $0x1, s18;
	[sflag:s24] =	ssyncset.done $0x0  }
0x1d: {  	p0 =	sne.s32 s18, s10;
	[sflag:s24] =	ssyncadd.s32 $0xFFFFEC78  }
.Ltmp1:
0x1e: {  	[bflag:$0x0] =	sbarrier.arrive $0xFFFF;
	(pc) =	sbr.rel @!p0 .LBB2_5-.Ltmp1, $4  }
0x1f: {  	[hbm:s9], [sflag:s14] =	dma.local [spmem:s15], $0xC80  }
0x20: {  	_ =	swait.ge [sflag:s11], $0xC80  }
0x21: {  	[sflag:s11] =	ssyncset.done $0x0  }
0x22: {  	[sflag:s11] =	ssyncadd.s32 $0xFFFFF380  }
.LBB2_1:
0x23: {  	[tilespmem:s4], [sflag:$0x6] =	stream.linear.gather [hbm4b:s5+s4], $0x2800, $0x38;
	[tilespmem:$0x104A0] =	vst v63  }
0x24: {  	_ =	swait.ge [sflag:s11], $0x2800  }
0x25: {  	[sflag:s11] =	ssyncset.done $0x0  }
0x26: {  	[sflag:s11] =	ssyncadd.s32 $0xFFFFD800  }
0x27: {  	[tilespmem:s12], [sflag:$0x6] =	stream.linear.gather [hbm4b:s6+s4], $0x2800, $0x38;
	[tilespmem:$0x104A0] =	vst v63  }
0x28: {  	_ =	swait.ge [sflag:s11], $0x2800  }
0x29: {  	[sflag:s11] =	ssyncset.done $0x0  }
0x2a: {  	s21 =	simm.s32 $0x5000;
	[sflag:s11] =	ssyncadd.s32 $0xFFFFD800  }
0x2b: {  	[tilespmem:s21], [sflag:$0x6] =	stream.linear.gather [hbm4b:s7+s4], $0x280, $0x38;
	[tilespmem:$0x104A0] =	vst v63  }
0x2c: {  	_ =	swait.ge [sflag:s11], $0x280  }
0x2d: {  	[sflag:s11] =	ssyncset.done $0x0  }
0x2e: {  	[sflag:s11] =	ssyncadd.s32 $0xFFFFFD80  }
0x2f: {  	[spmem:s15], [sflag:s14] =	dma.local [hbm:s8], $0xC80  }
0x30: {  	_ =	swait.ge [sflag:s11], $0xC80  }
0x31: {  	[sflag:s11] =	ssyncset.done $0x0  }
0x32: {  	[sflag:s11] =	ssyncadd.s32 $0xFFFFF380  }
0x33: {  	[bflag:$0x0] =	sbarrier.arrive $0xFFFF  }
0x34: {  	[tilespmem:s17], [sflag:$0x1] =	stream.indirect.gather [hbm4b:s1+s16], $0x28, s4, s16, $0xb8;
	[tilespmem:$0x104A0] =	vst v63  }
0x35: {  	s25 =	simm.s32 $0x80  }
0x36: {  	[tilespmem:s19], [sflag:$0x2] =	stream.indirect.gather [hbm4b:s1+s16], $0x28, s25, s16, $0xb8;
	[tilespmem:$0x104A0] =	vst v63  }
0x37: {  	_ =	swait.ge [sflag:s20], $0x1388  }
0x38: {  	[sflag:s20] =	ssyncset.done $0x0  }
0x39: {  	[sflag:s20] =	ssyncadd.s32 $0xFFFFEC78  }
0x3a: {  	[spmem:s3] =	stream.indirect.scatter.add.f32 [tilespmem:s17], [sflag:$0x5], $0x28, s12, s16, $0xb8;
	[tilespmem:$0x104A0] =	vst v63  }
0x3b: {  	s26 =	simm.s32 $0x100  }
0x3c: {  	[tilespmem:s22], [sflag:$0x3] =	stream.indirect.gather [hbm4b:s1+s16], $0x28, s26, s16, $0xb8;
	[tilespmem:$0x104A0] =	vst v63  }
0x3d: {  	_ =	swait.ge [sflag:s23], $0x1388  }
0x3e: {  	[sflag:s23] =	ssyncset.done $0x0  }
0x3f: {  	[sflag:s23] =	ssyncadd.s32 $0xFFFFEC78  }
0x40: {  	_ =	swait.ge [sflag:s24], $0x1388  }
0x41: {  	[sflag:s24] =	ssyncset.done $0x0  }
0x42: {  	s25 =	simm.s32 $0x2880;
	[sflag:s24] =	ssyncadd.s32 $0xFFFFEC78  }
0x43: {  	[spmem:s3] =	stream.indirect.scatter.add.f32 [tilespmem:s19], [sflag:$0x5], $0x28, s25, s16, $0xb8;
	[tilespmem:$0x104A0] =	vst v63  }
0x44: {  	s26 =	simm.s32 $0x180  }
0x45: {  	[tilespmem:s28], [sflag:$0x4] =	stream.indirect.gather [hbm4b:s1+s16], $0x28, s26, s16, $0xb8;
	[tilespmem:$0x104A0] =	vst v63  }
0x46: {  	_ =	swait.ge [sflag:s29], $0x1388  }
0x47: {  	[sflag:s29] =	ssyncset.done $0x0  }
0x48: {  	[sflag:s29] =	ssyncadd.s32 $0xFFFFEC78  }
0x49: {  	_ =	swait.ge [sflag:s24], $0x1388  }
0x4a: {  	[sflag:s24] =	ssyncset.done $0x0  }
0x4b: {  	[sflag:s24] =	ssyncadd.s32 $0xFFFFEC78  }
0x4c: {  	[spmem:s3] =	stream.indirect.scatter.add.f32 [tilespmem:s22], [sflag:$0x5], $0x28, s30, s16, $0xb8;
	[tilespmem:$0x104A0] =	vst v63  }
0x4d: {  	_ = 	snop  }
0x4e: {  	[tilespmem:s17], [sflag:$0x1] =	stream.indirect.gather [hbm4b:s1+s16], $0x28, s31, s16, $0xb8;
	[tilespmem:$0x104A0] =	vst v63  }
0x4f: {  	_ =	swait.ge [sflag:s2], $0x1388  }
0x50: {  	[sflag:s2] =	ssyncset.done $0x0  }
0x51: {  	[sflag:s2] =	ssyncadd.s32 $0xFFFFEC78  }
0x52: {  	_ =	swait.ge [sflag:s24], $0x1388  }
0x53: {  	[sflag:s24] =	ssyncset.done $0x0  }
0x54: {  	[sflag:s24] =	ssyncadd.s32 $0xFFFFEC78  }
0x55: {  	[spmem:s3] =	stream.indirect.scatter.add.f32 [tilespmem:s28], [sflag:$0x5], $0x28, s0, s16, $0xb8;
	[tilespmem:$0x104A0] =	vst v63  }
0x56: {  	s21 =	simm.s32 $0x0  }
0x57: {  	[tilespmem:s19], [sflag:$0x2] =	stream.indirect.gather [hbm4b:s1+s16], $0x28, s13, s16, $0xb8;
	[tilespmem:$0x104A0] =	vst v63  }
.LBB2_2:
0x58: {  	_ =	swait.ge [sflag:s20], $0x1388  }
0x59: {  	[sflag:s20] =	ssyncset.done $0x0  }
0x5a: {  	[sflag:s20] =	ssyncadd.s32 $0xFFFFEC78  }
0x5b: {  	_ =	swait.ge [sflag:s24], $0x1388  }
0x5c: {  	s25 =	sshra.s32 s21, $0x2;
	[sflag:s24] =	ssyncset.done $0x0  }
0x5d: {  	s26 =	sadd.s32 $0x2A00, s25;
	[sflag:s24] =	ssyncadd.s32 $0xFFFFEC78  }
0x5e: {  	[spmem:s3] =	stream.indirect.scatter.add.f32 [tilespmem:s17], [sflag:$0x5], $0x28, s26, s16, $0xb8;
	[tilespmem:$0x104A0] =	vst v63  }
0x5f: {  	s26 =	sadd.s32 $0x300, s25  }
0x60: {  	[tilespmem:s22], [sflag:$0x3] =	stream.indirect.gather [hbm4b:s1+s16], $0x28, s26, s16, $0xb8;
	[tilespmem:$0x104A0] =	vst v63  }
0x61: {  	_ =	swait.ge [sflag:s23], $0x1388  }
0x62: {  	[sflag:s23] =	ssyncset.done $0x0  }
0x63: {  	[sflag:s23] =	ssyncadd.s32 $0xFFFFEC78  }
0x64: {  	_ =	swait.ge [sflag:s24], $0x1388  }
0x65: {  	[sflag:s24] =	ssyncset.done $0x0  }
0x66: {  	s26 =	sadd.s32 $0x2A80, s25;
	[sflag:s24] =	ssyncadd.s32 $0xFFFFEC78  }
0x67: {  	[spmem:s3] =	stream.indirect.scatter.add.f32 [tilespmem:s19], [sflag:$0x5], $0x28, s26, s16, $0xb8;
	[tilespmem:$0x104A0] =	vst v63  }
0x68: {  	s26 =	sadd.s32 $0x380, s25  }
0x69: {  	[tilespmem:s28], [sflag:$0x4] =	stream.indirect.gather [hbm4b:s1+s16], $0x28, s26, s16, $0xb8;
	[tilespmem:$0x104A0] =	vst v63  }
0x6a: {  	_ =	swait.ge [sflag:s29], $0x1388  }
0x6b: {  	p0 =	seq.s32 s21, $0x9000;
	[sflag:s29] =	ssyncset.done $0x0  }
.Ltmp2:
0x6c: {  	[sflag:s29] =	ssyncadd.s32 $0xFFFFEC78;
	(pc) =	sbr.rel @p0 .LBB2_4-.Ltmp2, $4  }
0x6d: {  	_ =	swait.ge [sflag:s24], $0x1388  }
0x6e: {  	[sflag:s24] =	ssyncset.done $0x0  }
0x6f: {  	s26 =	sadd.s32 $0x2B00, s25;
	[sflag:s24] =	ssyncadd.s32 $0xFFFFEC78  }
0x70: {  	[spmem:s3] =	stream.indirect.scatter.add.f32 [tilespmem:s22], [sflag:$0x5], $0x28, s26, s16, $0xb8;
	[tilespmem:$0x104A0] =	vst v63  }
0x71: {  	s26 =	sadd.s32 $0x400, s25  }
0x72: {  	[tilespmem:s17], [sflag:$0x1] =	stream.indirect.gather [hbm4b:s1+s16], $0x28, s26, s16, $0xb8;
	[tilespmem:$0x104A0] =	vst v63  }
0x73: {  	_ =	swait.ge [sflag:s2], $0x1388  }
0x74: {  	[sflag:s2] =	ssyncset.done $0x0  }
0x75: {  	[sflag:s2] =	ssyncadd.s32 $0xFFFFEC78  }
0x76: {  	_ =	swait.ge [sflag:s24], $0x1388  }
.Ltmp3:
0x77: {  	[sflag:s24] =	ssyncset.done $0x0;
	(pc) =	sbr.rel .LBB2_2-.Ltmp3, $4  }
0x78: {  	s26 =	sadd.s32 $0x2B80, s25;
	[sflag:s24] =	ssyncadd.s32 $0xFFFFEC78  }
0x79: {  	[spmem:s3] =	stream.indirect.scatter.add.f32 [tilespmem:s28], [sflag:$0x5], $0x28, s26, s16, $0xb8;
	[tilespmem:$0x104A0] =	vst v63  }
0x7a: {  	s21 =	sadd.s32 $0x800, s21;
	s26 =	sadd.s32 $0x480, s25  }
0x7b: {  	[tilespmem:s19], [sflag:$0x2] =	stream.indirect.gather [hbm4b:s1+s16], $0x28, s26, s16, $0xb8;
	[tilespmem:$0x104A0] =	vst v63  }
.LBB2_5:
0x7c: {  	_ =	sfence.sel $0x180000  }
0x7d: {  	[bflag:$0x0] =	sbarrier.arrive $0xFFFF  }
0x7e: {  	_ =	strace $0x9000004D  }
0x7f: {  	s0 =	stileid.u32;
	[bflag:$0x2] =	sbarrier.arrive $0xFFFF  }
0x80: {  	p0 =	sne.s32 s0, $0x0;
	s0 =	rddreg [dreg:$0x3]  }
0x81: {  	s0 =	sadd.s32 @!p0 $0x100000, s0  }
0x82: {  	[sflag:s0] =	ssyncadd.tile.s32 @!p0 $0x1;
	_ =	shalt  }
.Lfunc_end2:
_tile_overlayer_lowered:
.L_overlay_start_2:
0x83: {  	(tag) =	ssettag $0x2  }
0x84: {  	s0 =	rddreg [dreg:$0x0];
	s2 =	stileid.u32  }
0x85: {  	s1 =	rddreg [dreg:$0x1];
	p0 =	sne.s32 s2, $0x0  }
0x86: {  	s3 =	rddreg [dreg:$0x2];
	[bflag:$0x3] =	sbarrier.arrive $0xFFFF;
	s2 =	simm.s32 @!p0 $0x1C06  }
0x87: {  	[timem:s3], [sflag:s2] =	dma.local @!p0 [hbm:s0], s1  }
0x88: {  	s0 =	simm.s32 @!p0 $0x6  }
0x89: {  	_ =	swait.ge @!p0 [sflag:s0], s1  }
0x8a: {  	s1 =	ssub.s32 @!p0 $0x0, s1;
	[sflag:s0] =	ssyncset.done @!p0 $0x0  }
0x8b: {  	[sflag:s0] =	ssyncadd.s32 @!p0 s1  }
0x8c: {  	[bflag:$0x3] =	sbarrier.arrive $0xFFFF  }
0x8d: {  	_ =	shalt  }

// kernel: kernel.9.cloned.1.call-start
scs
__scs_entry_jumppad:
0x0: {  	(pc) =	sbr.rel $0x88, $3  }
0x1: {  	(tag) =	ssettag $0x0;
	lr =	simm.s32 $0x1  }
0x2: {  	[smem:$0x3F9B] =	sst lr;
	_ =	strace $0xD0000000  }
0x3: {  	_ = 	snop  }
0x4: {  	_ = 	snop  }
0x5: {  	_ = 	snop  }
0x6: {  	_ = 	snop  }
0x7: {  	_ = 	snop  }
__scs_overlays_trampoline_lowered:
0x8: {  	[smem:$0x3FAA] =	sst s0  }
0x9: {  	[smem:$0x3FAB] =	sst s1  }
0xa: {  	[smem:$0x3FAC] =	sst s2  }
0xb: {  	[smem:$0x3FAD] =	sst s3  }
0xc: {  	[smem:$0x3FAE] =	sst s4  }
0xd: {  	[smem:$0x3FAF] =	sst s5  }
0xe: {  	[smem:$0x3FB0] =	sst s6  }
0xf: {  	[smem:$0x3FB1] =	sst s7  }
0x10: {  	[smem:$0x3FB2] =	sst s8  }
0x11: {  	[smem:$0x3FB3] =	sst s9;
	s0 =	simm.s32 @!p0 $0x0  }
0x12: {  	s1 =	sld [smem:$0x3F99];
	s0 =	simm.s32 @p0 $0x1  }
0x13: {  	[smem:$0x3FB4] =	sst s0;
	s0 =	simm.s32 @!p1 $0x0  }
0x14: {  	s2 =	sld [smem:$0x3F98];
	s0 =	simm.s32 @p1 $0x1  }
0x15: {  	[smem:$0x3FB5] =	sst s0;
	s0 =	simm.s32 @!p2 $0x0  }
0x16: {  	s3 =	sld [smem:$0x3FDB];
	s0 =	simm.s32 @p2 $0x1  }
0x17: {  	s4 =	simm.s32 $0x1BF5;
	[smem:$0x3FB7] =	sst s0  }
0x18: {  	s0 =	sld [smem:$0x3F9A];
	_ =	swait.ge [sflag:s4], $0x0  }
0x19: {  	s7 =	sld [smem:$0x3F9B]  }
0x1a: {  	s8 =	sadd.s32 $0xFFFFE003, lr  }
0x1b: {  	s9 =	sadd.s32 $0xFFFFFEF7, lr;
	s5 =	simm.s32 $0xFFFFFFFF;
	p2 =	slt.u32 s8, $0xFFFFF086  }
0x1c: {  	p1 =	slt.u32 s9, $0xF7A;
	s5 =	simm.s32 @!p2 $0x0  }
0x1d: {  	s5 =	simm.s32 @p1 $0x1;
	p0 =	seq.s32 s7, s2  }
0x1e: {  	s7 =	smul.u32 @!p0 $0xF7A, s2;
	p2 =	seq.s32 @!p0 s5, $0x0  }
0x1f: {  	s9 =	smul.u32 $0xF7A, s1;
	s8 =	simm.s32 @!p0 $0x1BF5;
	p2 =	por !p2, p0  }
0x20: {  	[sflag:s8] =	ssyncset.s32 @!p0 $0xFFFFF086;
	s6 =	sadd.s32 @!p0 s3, s7;
	s7 =	simm.s32 @!p0 $0x108  }
0x21: {  	s3 =	sadd.s32 s3, s9;
	s6 =	sadd.s32 @!p0 $0x88, s6;
	s7 =	simm.s32 @p2 $0x1082  }
0x22: {  	[simem:s7], [sflag:s8] =	dma.local @!p0 [hbm:s6], $0xF7A  }
0x23: {  	s9 =	sor.u32 $0xD0000000, s2;
	s6 =	simm.s32 $0x108;
	_ =	swait.ge @!p0 [sflag:s8], $0x0  }
0x24: {  	s3 =	sadd.s32 $0x88, s3;
	s6 =	simm.s32 @!p1 $0x1082;
	[sflag:s4] =	ssyncset.s32 $0xFFFFF086  }
0x25: {  	[simem:s6], [sflag:s4] =	dma.local [hbm:s3], $0xF7A  }
0x26: {  	[smem:$0x3F9B] =	sst s1;
	(tag) =	ssettag s2;
	_ =	strace s9  }
0x27: {  	s1 =	sld [smem:$0x3FAB]  }
0x28: {  	s2 =	sld [smem:$0x3FAC]  }
0x29: {  	s4 =	sld [smem:$0x3FAE]  }
0x2a: {  	p0 =	seq.s32 s5, $0x0;
	s5 =	sld [smem:$0x3FAF]  }
0x2b: {  	s6 =	sld [smem:$0x3FB0]  }
0x2c: {  	s7 =	sld [smem:$0x3FB1]  }
0x2d: {  	s3 =	simm.s32 $0x108;
	s8 =	sld [smem:$0x3FB2]  }
0x2e: {  	s3 =	simm.s32 @!p0 $0x1082;
	s9 =	sld [smem:$0x3FB3]  }
0x2f: {  	lr =	sadd.s32 s0, s3;
	s0 =	sld [smem:$0x3FAA]  }
0x30: {  	s3 =	sld [smem:$0x3FAD]  }
0x31: {  	[smem:$0x3FB6] =	sst s10  }
0x32: {  	s10 =	sld [smem:$0x3FB4];
	_ =	sdelay $0x3  }
0x33: {  	p0 =	seq.s32 s10, $0x1;
	s10 =	sld [smem:$0x3FB6];
	_ =	sdelay $0x3  }
0x34: {  	[smem:$0x3FB6] =	sst s10  }
0x35: {  	s10 =	sld [smem:$0x3FB5];
	_ =	sdelay $0x3  }
0x36: {  	p1 =	seq.s32 s10, $0x1;
	s10 =	sld [smem:$0x3FB6];
	_ =	sdelay $0x3  }
0x37: {  	[smem:$0x3FB6] =	sst s10  }
0x38: {  	s10 =	sld [smem:$0x3FB7]  }
0x39: {  	_ = 	snop;
	(pc) =	sbr.ind lr, $3  }
0x3a: {  	_ = 	snop  }
0x3b: {  	_ = 	snop  }
0x3c: {  	p2 =	seq.s32 s10, $0x1;
	s10 =	sld [smem:$0x3FB6]  }
0x3d: {  	_ =	shalt  }
0x3e: {  	_ =	shalt  }
0x3f: {  	_ =	shalt  }
0x40: {  	_ =	shalt  }
0x41: {  	_ =	shalt  }
0x42: {  	_ =	shalt  }
0x43: {  	_ =	shalt  }
0x44: {  	_ =	shalt  }
0x45: {  	_ =	shalt  }
0x46: {  	_ =	shalt  }
0x47: {  	_ =	shalt  }
0x48: {  	_ =	shalt  }
0x49: {  	_ =	shalt  }
0x4a: {  	_ =	shalt  }
0x4b: {  	_ =	shalt  }
0x4c: {  	_ =	shalt  }
0x4d: {  	_ =	shalt  }
0x4e: {  	_ =	shalt  }
0x4f: {  	_ =	shalt  }
0x50: {  	_ =	shalt  }
0x51: {  	_ =	shalt  }
0x52: {  	_ =	shalt  }
0x53: {  	_ =	shalt  }
0x54: {  	_ =	shalt  }
0x55: {  	_ =	shalt  }
0x56: {  	_ =	shalt  }
0x57: {  	_ =	shalt  }
0x58: {  	_ =	shalt  }
0x59: {  	_ =	shalt  }
0x5a: {  	_ =	shalt  }
0x5b: {  	_ =	shalt  }
0x5c: {  	_ =	shalt  }
0x5d: {  	_ =	shalt  }
0x5e: {  	_ =	shalt  }
0x5f: {  	_ =	shalt  }
0x60: {  	_ =	shalt  }
0x61: {  	_ =	shalt  }
0x62: {  	_ =	shalt  }
0x63: {  	_ =	shalt  }
0x64: {  	_ =	shalt  }
0x65: {  	_ =	shalt  }
0x66: {  	_ =	shalt  }
0x67: {  	_ =	shalt  }
0x68: {  	_ =	shalt  }
0x69: {  	_ =	shalt  }
0x6a: {  	_ =	shalt  }
0x6b: {  	_ =	shalt  }
0x6c: {  	_ =	shalt  }
0x6d: {  	_ =	shalt  }
0x6e: {  	_ =	shalt  }
0x6f: {  	_ =	shalt  }
0x70: {  	_ =	shalt  }
0x71: {  	_ =	shalt  }
0x72: {  	_ =	shalt  }
0x73: {  	_ =	shalt  }
0x74: {  	_ =	shalt  }
0x75: {  	_ =	shalt  }
0x76: {  	_ =	shalt  }
0x77: {  	_ =	shalt  }
0x78: {  	_ =	shalt  }
0x79: {  	_ =	shalt  }
0x7a: {  	_ =	shalt  }
0x7b: {  	_ =	shalt  }
0x7c: {  	_ =	shalt  }
0x7d: {  	_ =	shalt  }
0x7e: {  	_ =	shalt  }
0x7f: {  	_ =	shalt  }
0x80: {  	_ =	shalt  }
0x81: {  	_ =	shalt  }
0x82: {  	_ =	shalt  }
0x83: {  	_ =	shalt  }
0x84: {  	_ =	shalt  }
0x85: {  	_ =	shalt  }
0x86: {  	_ =	shalt  }
0x87: {  	_ =	shalt  }
.Lfunc_end0:
.L_simem_size_0:
called_computation_lowered:
.L_overlay_start_0:
0x88: {  	s2 =	sld [smem:$0x3FD9]  }
0x89: {  	s3 =	sld [smem:$0x3FFE];
	_ =	sdelay $0x1  }
0x8a: {  	s1 =	srdreg.scid  }
0x8b: {  	s0 =	sand.u32 $0x1, s1  }
0x8c: {  	s17 =	sshll.u32 s0, $0xA;
	s2 =	sadd.s32 s3, s2  }
0x8d: {  	s2 =	sadd.s32 s2, s17  }
0x8e: {  	[smem:$0x3FC2] =	sst s2  }
0x8f: {  	_ = 	snop  }
0x90: {  	s2 =	sld [smem:$0x3FD0];
	(tm) =	ssettm $0x1  }
0x91: {  	s18 =	sld [smem:$0x3FFB];
	_ =	sdelay $0x3  }
0x92: {  	_ =	strace s18  }
0x93: {  	s3 =	sld [smem:$0x3FFC];
	_ =	sdelay $0x3  }
0x94: {  	_ =	strace s3  }
0x95: {  	s3 =	sld [smem:$0x3FFD];
	_ =	sdelay $0x3  }
0x96: {  	_ =	strace s3  }
0x97: {  	_ =	strace $0x8FFFFFFF  }
0x98: {  	s19 =	sld [smem:$0x3FDB];
	_ =	sdelay $0x1  }
0x99: {  	s4 =	simm.s32 $_scs_section_size  }
0x9a: {  	s5 =	simm.s32 $_size__tile_overlayer_lowered;
	s6 =	simm.s32 $_tile_overlayer_lowered  }
0x9b: {  	s22 =	simm.s32 $0x1BFF;
	s21 =	sshll.u32 s6, $0x1;
	s3 =	sadd.s32 s4, s19  }
0x9c: {  	s7 =	simm.s32 $0x0;
	s20 =	sshll.u32 s5, $0x1;
	s5 =	sadd.s32 s21, s3  }
0x9d: {  	[timem:s7], [sflag:s22] =	dma.local [hbm:s5], s20  }
0x9e: {  	_ =	swait.ge [sflag:s22], s20  }
0x9f: {  	s4 =	ssub.s32 $0x0, s20;
	[sflag:s22] =	ssyncset.done $0x0  }
0xa0: {  	[sflag:s22] =	ssyncadd.s32 s4;
	_ =	sdelay $0x1  }
0xa1: {  	s23 =	simm.s32 $0x1B8B  }
0xa2: {  	_ =	swait.ge [sflag:s23], $0x1  }
0xa3: {  	[sflag:s23] =	ssyncset.done $0x0  }
0xa4: {  	s25 =	simm.s32 $0x1B8E;
	s24 =	sld [smem:$0x3FFE];
	[sflag:s23] =	ssyncadd.s32 $0xFFFFFFFF  }
0xa5: {  	s26 =	simm.s32 $execute0_lowered;
	[smem:$0x3FD2] =	sst s25  }
0xa6: {  	s5 =	sshll.u32 s26, $0x1;
	_ =	strace $0x80000046;
	[dreg:$0x1] =	wrdreg $0xFFFFFFFF  }
0xa7: {  	s28 =	simm.s32 $_size_execute0_lowered;
	s3 =	sadd.s32 s3, s5;
	[dreg:$0x0] =	wrdreg $0x0  }
0xa8: {  	s5 =	sshll.u32 s28, $0x1;
	[dreg:$0x2] =	wrdreg s3  }
0xa9: {  	[dreg:$0x3] =	wrdreg s5  }
0xaa: {  	[dreg:$0x4] =	wrdreg $0xC0  }
0xab: {  	_ =	task [dreg:s7], $0x5FFFF  }
0xac: {  	[dreg:$0x1] =	wrdreg $0xFFFFFFFF  }
0xad: {  	[dreg:$0x0] =	wrdreg $0x60  }
0xae: {  	[dreg:$0x2] =	wrdreg s2  }
0xaf: {  	[dreg:$0x3] =	wrdreg s24  }
0xb0: {  	[dreg:$0x4] =	wrdreg $0x28800  }
0xb1: {  	[dreg:$0x5] =	wrdreg $0x9  }
0xb2: {  	_ =	task.clear_ibuf [dreg:s7], $0x6FFFF;
	_ =	strace $0x90000046  }
0xb3: {  	s29 =	simm.s32 $0x9;
	_ =	strace $0x80000048  }
0xb4: {  	_ =	swait.ge [sflag:s29], $0x1  }
0xb5: {  	[sflag:s29] =	ssyncadd.s32 $0xFFFFFFFF  }
0xb6: {  	_ =	strace $0x90000048  }
0xb7: {  	_ =	sfence  }
0xb8: {  	s30 =	sld [smem:$0x0];
	_ =	sdelay $0x2  }
0xb9: {  	s31 =	sshll.u32 s1, $0xD;
	s1 =	sshrl.u32 s1, $0x2  }
0xba: {  	s3 =	sand.u32 $0x4000, s31;
	s1 =	sadd.s32 s1, s30  }
0xbb: {  	s0 =	sor.u32 s3, s0;
	s1 =	sshll.u32 s1, $0x11  }
0xbc: {  	s0 =	sor.u32 s1, s0  }
0xbd: {  	s0 =	sadd.s32 $0x8F2B, s0  }
0xbe: {  	[sflag:s0] =	ssyncadd.remote.s32 $0x1  }
0xbf: {  	_ =	sfence.sel $0xFFFF  }
0xc0: {  	[dreg:$0x0] =	wrdreg $0xFFFFFFFF;
	(pc) =	sbr.abs _section_cstart, $3  }
0xc1: {  	[dreg:$0x1] =	wrdreg $0xFFFFFFFF  }
0xc2: {  	_ =	task.clear_ibuf [dreg:s7], $0x2FFFF;
	_ =	strace $0x9FFFFFFF  }
0xc3: {  	(tm) =	ssettm $0x7FFFFFFF  }
tec
execute0_lowered:
.L_overlay_start_1:
0x0: {  	(tag) =	ssettag $0x1  }
0x1: {  	s5 =	rddreg [dreg:$0x0]  }
0x2: {  	s6 =	rddreg [dreg:$0x1]  }
0x3: {  	s2 =	rddreg [dreg:$0x2]  }
0x4: {  	s0 =	rddreg [dreg:$0x3];
	s3 =	simm.s32 $0x0;
	s1 =	stileid.u32  }
0x5: {  	s4 =	srdreg.scid;
	s13 =	simm.s32 $0x7D;
	s14 =	simm.s32 $0x20  }
0x6: {  	s15 =	simm.s32 $0x10;
	s16 =	simm.s32 $0x0;
	s7 =	smul.u32 $0x280, s1  }
0x7: {  	[smem:$0x7FF] =	sst s3;
	s8 =	sand.u32 $0x1, s4;
	s9 =	smul.u32 $0x500, s1  }
0x8: {  	s4 =	sadd.s32 $0x2400, s6;
	s31 =	sshll.u32 s1, $0x6;
	_ =	strace $0x80000047  }
0x9: {  	s10 =	sshll.u32 s8, $0x7;
	s11 =	sshll.u32 s8, $0x4;
	s8 =	ssub.s32 $0x2, s8  }
0xa: {  	s12 =	sshrl.u32 s7, $0x3;
	s9 =	sor.u32 s10, s9;
	s26 =	sor.u32 s1, s11  }
0xb: {  	s29 =	sshrl.u32 s8, $0x1;
	s30 =	sadd.s32 s7, s2;
	s11 =	sor.u32 $0x1C01, s31  }
0xc: {  	s9 =	sshrl.u32 s9, $0x3;
	s10 =	smul.u32 $0x500, s26;
	s28 =	sadd.s32 s12, s6  }
0xd: {  	s8 =	ssub.s32 s8, s29;
	s12 =	sshrl.u32 s30, $0x3;
	s9 =	sadd.s32 s9, s6  }
0xe: {  	s6 =	sadd.s32 $0x1E00, s28;
	s8 =	smax.u32 s8, $0x1;
	s5 =	sadd.s32 s5, s10  }
0xf: {  	s7 =	sadd.s32 $0x2600, s9;
	s9 =	simm.s32 $0x1;
	s10 =	simm.s32 $0x2800  }
.LBB2_1:
0x10: {  	[tilespmem:s3], [sflag:$0x1] =	stream.linear.gather [hbm4b:s5+s3], $0x2800, $0x38;
	[tilespmem:$0x2B00] =	vst v63  }
0x11: {  	_ =	swait.ge [sflag:s9], $0x2800  }
0x12: {  	[sflag:s9] =	ssyncset.done $0x0  }
0x13: {  	[sflag:s9] =	ssyncadd.s32 $0xFFFFD800  }
0x14: {  	[tilespmem:s10], [sflag:$0x1] =	stream.linear.gather [hbm4b:s4+s3], $0x80, $0x38;
	[tilespmem:$0x2B00] =	vst v63  }
0x15: {  	_ =	swait.ge [sflag:s9], $0x80  }
0x16: {  	[sflag:s9] =	ssyncset.done $0x0  }
0x17: {  	[sflag:s9] =	ssyncadd.s32 $0xFFFFFF80  }
0x18: {  	[spmem:s12], [sflag:s11] =	dma.local [hbm:s6], $0x50  }
0x19: {  	_ =	swait.ge [sflag:s9], $0x50  }
0x1a: {  	[sflag:s9] =	ssyncset.done $0x0  }
0x1b: {  	[sflag:s9] =	ssyncadd.s32 $0xFFFFFFB0  }
0x1c: {  	s17 =	simm.s32 $0x0;
	[bflag:$0x0] =	sbarrier.arrive $0xFFFF  }
0x1d: {  	[spmem:s2] =	stream.indirect.scatter.add.f32 [tilespmem:s10], [sflag:$0x1], $0x1, s17, s13, $0xb8;
	[tilespmem:$0x2B00] =	vst v63  }
0x1e: {  	_ =	swait.ge [sflag:s9], $0x7D  }
0x1f: {  	s17 =	simm.s32 $0x200;
	[sflag:s9] =	ssyncset.done $0x0  }
.LBB2_2:
0x20: {  	s18 =	sshra.s32 s17, $0x2;
	[sflag:s9] =	ssyncadd.s32 $0xFFFFFF83;
	p0 =	sne.s32 s17, $0x9E00  }
0x21: {  	[spmem:s2] =	stream.indirect.scatter.add.f32 [tilespmem:s10], [sflag:$0x1], $0x1, s18, s13, $0xb8;
	[tilespmem:$0x2B00] =	vst v63  }
.Ltmp0:
0x22: {  	_ = 	snop;
	(pc) =	sbr.rel @p0 .LBB2_2-.Ltmp0, $4  }
0x23: {  	_ = 	snop  }
0x24: {  	s17 =	sadd.s32 $0x200, s17  }
0x25: {  	_ =	swait.ge [sflag:s9], $0x7D  }
0x26: {  	[sflag:s9] =	ssyncset.done $0x0  }
0x27: {  	s16 =	sadd.s32 $0x1, s16  }
0x28: {  	[sflag:s9] =	ssyncadd.s32 $0xFFFFFF83;
	p0 =	sne.s32 s16, s8  }
.Ltmp1:
0x29: {  	[bflag:$0x0] =	sbarrier.arrive $0xFFFF;
	(pc) =	sbr.rel @p0 .LBB2_1-.Ltmp1, $4  }
0x2a: {  	[hbm:s7@s14], [sflag:s11] =	dma.strided [spmem:s12@s15], $0x50, s9, $0x10   }
0x2b: {  	_ =	swait.ge [sflag:s9], $0x50  }
0x2c: {  	[sflag:s9] =	ssyncset.done $0x0  }
0x2d: {  	[sflag:s9] =	ssyncadd.s32 $0xFFFFFFB0  }
0x2e: {  	_ =	sfence.sel $0x180000  }
0x2f: {  	[bflag:$0x0] =	sbarrier.arrive $0xFFFF  }
0x30: {  	p0 =	sne.s32 s1, $0x0;
	_ =	strace $0x90000047  }
0x31: {  	s0 =	sadd.s32 @!p0 $0x100000, s0;
	[bflag:$0x2] =	sbarrier.arrive $0xFFFF  }
0x32: {  	[sflag:s0] =	ssyncadd.tile.s32 @!p0 $0x1;
	_ =	shalt  }
.Lfunc_end2:
_tile_overlayer_lowered:
.L_overlay_start_2:
0x33: {  	(tag) =	ssettag $0x2  }
0x34: {  	s0 =	rddreg [dreg:$0x0];
	s2 =	stileid.u32  }
0x35: {  	s1 =	rddreg [dreg:$0x1];
	p0 =	sne.s32 s2, $0x0  }
0x36: {  	s3 =	rddreg [dreg:$0x2];
	[bflag:$0x3] =	sbarrier.arrive $0xFFFF;
	s2 =	simm.s32 @!p0 $0x1C01  }
0x37: {  	[timem:s3], [sflag:s2] =	dma.local @!p0 [hbm:s0], s1  }
0x38: {  	s0 =	simm.s32 @!p0 $0x1  }
0x39: {  	_ =	swait.ge @!p0 [sflag:s0], s1  }
0x3a: {  	s1 =	ssub.s32 @!p0 $0x0, s1;
	[sflag:s0] =	ssyncset.done @!p0 $0x0  }
0x3b: {  	[sflag:s0] =	ssyncadd.s32 @!p0 s1  }
0x3c: {  	[bflag:$0x3] =	sbarrier.arrive $0xFFFF  }
0x3d: {  	_ =	shalt  }

</sc_bundles>
